<compile_context>
chip_gen: v7x
topology: tpu7x:2x2x1
jax: 0.10.2.dev20260603
libtpu: 0.0.44.dev20260713+nightly
codegen_flags: <defaults>
</compile_context>

<pallas_src>
import jax
import jax.numpy as jnp
from jax import lax
from jax.experimental import pallas as pl
from jax.experimental.pallas import tpu as pltpu
from jax.experimental.pallas import tpu_sc as plsc

VOCAB = 100000
EMBED_DIM = 128
BATCH = 4096
SEQ = 50

NC = 2
NS = 16
NW = NC * NS
B = BATCH * SEQ
BPW = B // NW
C = 128
NCHUNK = BPW // C
NBUF = 5


K = NBUF - 1


def _gather_kernel(idx_hbm, table_hbm, out_hbm, idx_v, rows_v, sem_g, sem_w):
    wid = lax.axis_index("s") * NC + lax.axis_index("c")
    base = wid * BPW
    pltpu.sync_copy(idx_hbm.at[wid], idx_v)

    def wait_g(b):
        pltpu.make_async_copy(table_hbm.at[pl.ds(0, C)], rows_v.at[b],
                              sem_g.at[b]).wait()

    def wait_w(b, j):
        pltpu.make_async_copy(rows_v.at[b],
                              out_hbm.at[pl.ds(base + j * C, C)],
                              sem_w.at[b]).wait()

    def issue_g(j, b):
        pltpu.async_copy(table_hbm.at[idx_v.at[j]], rows_v.at[b], sem_g.at[b])

    def issue_w(j, b):
        pltpu.async_copy(rows_v.at[b], out_hbm.at[pl.ds(base + j * C, C)],
                         sem_w.at[b])

    for j in range(K):
        issue_g(j, j % NBUF)
    issue_g(K, K % NBUF)
    wait_g(0)
    issue_w(0, 0)

    @pl.loop(NBUF, NCHUNK, step=NBUF)
    def steady(g):
        for b0 in range(NBUF):
            j = g + b0
            b = b0
            wait_w(b, j - NBUF)
            issue_g(j, b)
            bw = (b0 - K) % NBUF
            wait_g(bw)
            issue_w(j - K, bw)

    for j in range(NCHUNK, NCHUNK + K):
        b = j % NBUF
        wait_w(b, j - NBUF)
        bw = (j - K) % NBUF
        wait_g(bw)
        issue_w(j - K, bw)
    wait_w((NCHUNK - 1) % NBUF, NCHUNK - 1)


@jax.jit
def kernel(inputs, table):
    idx = inputs.T.reshape(NW, NCHUNK, C)
    mesh = plsc.VectorSubcoreMesh(core_axis_name="c", subcore_axis_name="s")
    out = pl.kernel(
        _gather_kernel,
        out_type=jax.ShapeDtypeStruct((B, EMBED_DIM), jnp.float32),
        mesh=mesh,
        scratch_types=[
            pltpu.VMEM((NCHUNK, C), jnp.int32),
            pltpu.VMEM((NBUF, C, EMBED_DIM), jnp.float32),
            pltpu.SemaphoreType.DMA((NBUF,)),
            pltpu.SemaphoreType.DMA((NBUF,)),
        ],
    )(idx, table)
    return out.reshape(SEQ, BATCH, EMBED_DIM).transpose(1, 0, 2)

# --- scband reference (transcript-rebuilt; emitter-appended) ---
"""Pipeline reference for scband-mlpwith-embedding-75247827026226 (READ-ONLY COPY).

The authoritative reference and input builder live on the scoring server;
editing this copy changes nothing except your own understanding.
"""

import jax, jax.numpy as jnp
import numpy as np

VOCAB = 100000
EMBED_DIM = 128
BATCH = 4096
SEQ = 50

def setup_inputs(seed: int = 0) -> dict:
    key = jax.random.key(seed)
    k1, k2 = jax.random.split(key)
    inputs = jax.random.randint(k1, (BATCH, SEQ), 0, VOCAB, dtype=jnp.int32)
    # Learned embedding table (OnDeviceEmbedding weight), truncated-normal-ish init
    table = jax.random.normal(k2, (VOCAB, EMBED_DIM), dtype=jnp.float32) * 0.02
    return {"inputs": inputs, "table": table}

def reference(inputs, table):
    # OnDeviceEmbedding: plain gather of embedding rows by integer ids
    # MLPWithEmbedding.call delegates straight to EmbeddingWrap -> embedding lookup
    return jnp.take(table, inputs, axis=0)

if __name__ == "__main__":
    import jax
    _d = setup_inputs()
    print(jax.jit(kernel)(*tuple(_d.values())))

</pallas_src>

<mosaic_0001>
#map = affine_map<(d0, d1) -> (0, 0, 0)>
#map1 = affine_map<(d0, d1) -> (0, 0)>
module attributes {stable_mosaic.version = 14 : i64} {
  func.func @_gather_kernel(%arg0: i32, %arg1: i32, %arg2: memref<32x50x128xi32, #tpu.memory_space<hbm>>, %arg3: memref<100000x128xf32, #tpu.memory_space<hbm>>, %arg4: memref<204800x128xf32, #tpu.memory_space<hbm>>, %arg5: memref<50x128xi32, #tpu.memory_space<vmem>>, %arg6: memref<5x128x128xf32, #tpu.memory_space<vmem>>, %arg7: memref<5x!tpu.dma_semaphore, #tpu.memory_space<semaphore_mem>>, %arg8: memref<5x!tpu.dma_semaphore, #tpu.memory_space<semaphore_mem>>) attributes {dimension_semantics = [#tpu.dimension_semantics<core_parallel>, #tpu.dimension_semantics<subcore_parallel>], iteration_bounds = array<i64: 2, 16>, scalar_prefetch = 0 : i64, scratch_operands = 4 : i64, tpu.core_type = #tpu.core_type<sc_vector_subcore>, window_params = [{transform_indices = #map}, {transform_indices = #map1}, {transform_indices = #map1}]} {
    %mul3A = arith.constant 2 : i32
    %mul3A_0 = arith.muli %arg1, %mul3A : i32
    %add3A = arith.addi %mul3A_0, %arg0 : i32
    %mul3A_1 = arith.constant 6400 : i32
    %mul3A_2 = arith.muli %add3A, %mul3A_1 : i32
    "tpu.region"() ({
      %run_scoped3A = tpu.sem_alloc : memref<!tpu.dma_semaphore, #tpu.memory_space<semaphore_mem>>
      %dma_start3A_350 = arith.constant 0 : i32
      %dma_start3A_351 = arith.constant 0 : i32
      %dma_start3A_352 = tpu.memref_slice %arg2[%add3A, %dma_start3A_350, %dma_start3A_351] : memref<32x50x128xi32, #tpu.memory_space<hbm>> -> memref<1x50x128xi32, #tpu.memory_space<hbm>>
      %dma_start3A_353 = tpu.memref_squeeze %dma_start3A_352 : memref<1x50x128xi32, #tpu.memory_space<hbm>> -> memref<50x128xi32, #tpu.memory_space<hbm>>
      %dma_start3A_354 = arith.constant 0 : i32
      %dma_start3A_355 = arith.constant 0 : i32
      %dma_start3A_356 = tpu.memref_slice %arg2[%add3A, %dma_start3A_354, %dma_start3A_355] : memref<32x50x128xi32, #tpu.memory_space<hbm>> -> memref<1x50x128xi32, #tpu.memory_space<hbm>>
      %dma_start3A_357 = tpu.memref_squeeze %dma_start3A_356 : memref<1x50x128xi32, #tpu.memory_space<hbm>> -> memref<50x128xi32, #tpu.memory_space<hbm>>
      tpu.enqueue_dma source(%dma_start3A_357 : memref<50x128xi32, #tpu.memory_space<hbm>>) target(%arg5 : memref<50x128xi32, #tpu.memory_space<vmem>>) target_semaphore(%run_scoped3A : memref<!tpu.dma_semaphore, #tpu.memory_space<semaphore_mem>>)
      %dma_wait3A_358 = arith.constant 0 : i32
      %dma_wait3A_359 = arith.constant 0 : i32
      %dma_wait3A_360 = tpu.memref_slice %arg2[%add3A, %dma_wait3A_358, %dma_wait3A_359] : memref<32x50x128xi32, #tpu.memory_space<hbm>> -> memref<1x50x128xi32, #tpu.memory_space<hbm>>
      %dma_wait3A_361 = tpu.memref_squeeze %dma_wait3A_360 : memref<1x50x128xi32, #tpu.memory_space<hbm>> -> memref<50x128xi32, #tpu.memory_space<hbm>>
      %dma_wait3A_362 = arith.constant 0 : i32
      %dma_wait3A_363 = arith.constant 0 : i32
      %dma_wait3A_364 = tpu.memref_slice %arg2[%add3A, %dma_wait3A_362, %dma_wait3A_363] : memref<32x50x128xi32, #tpu.memory_space<hbm>> -> memref<1x50x128xi32, #tpu.memory_space<hbm>>
      %dma_wait3A_365 = tpu.memref_squeeze %dma_wait3A_364 : memref<1x50x128xi32, #tpu.memory_space<hbm>> -> memref<50x128xi32, #tpu.memory_space<hbm>>
      tpu.wait_dma2 semaphore(%run_scoped3A : memref<!tpu.dma_semaphore, #tpu.memory_space<semaphore_mem>>) src(%dma_wait3A_365 : memref<50x128xi32, #tpu.memory_space<hbm>>) dst(%arg5 : memref<50x128xi32, #tpu.memory_space<vmem>>)
      tpu.yield
    }) : () -> ()
    %dma_start3A = arith.constant 0 : i32
    %dma_start3A_3 = arith.constant 0 : i32
    %dma_start3A_4 = arith.constant 0 : i32
    %dma_start3A_5 = arith.constant 0 : i32
    %dma_start3A_6 = arith.constant 0 : i32
    %dma_start3A_7 = tpu.memref_slice %arg6[%dma_start3A_3, %dma_start3A_5, %dma_start3A_6] : memref<5x128x128xf32, #tpu.memory_space<vmem>> -> memref<1x128x128xf32, #tpu.memory_space<vmem>>
    %dma_start3A_8 = tpu.memref_squeeze %dma_start3A_7 : memref<1x128x128xf32, #tpu.memory_space<vmem>> -> memref<128x128xf32, #tpu.memory_space<vmem>>
    %dma_start3A_9 = arith.constant 0 : i32
    %dma_start3A_10 = tpu.memref_slice %arg5[%dma_start3A, %dma_start3A_9] : memref<50x128xi32, #tpu.memory_space<vmem>> -> memref<1x128xi32, #tpu.memory_space<vmem>>
    %dma_start3A_11 = tpu.memref_squeeze %dma_start3A_10 : memref<1x128xi32, #tpu.memory_space<vmem>> -> memref<128xi32, #tpu.memory_space<vmem>>
    %dma_start3A_12 = arith.constant 0 : i32
    %dma_start3A_13 = arith.constant 0 : i32
    %dma_start3A_14 = tpu.memref_slice %arg3[%dma_start3A_12, %dma_start3A_13] : memref<100000x128xf32, #tpu.memory_space<hbm>> -> memref<100000x128xf32, #tpu.memory_space<hbm>>
    %dma_start3A_15 = tpu.memref_slice %arg7[%dma_start3A_4] : memref<5x!tpu.dma_semaphore, #tpu.memory_space<semaphore_mem>> -> memref<1x!tpu.dma_semaphore, #tpu.memory_space<semaphore_mem>>
    %dma_start3A_16 = tpu.memref_squeeze %dma_start3A_15 : memref<1x!tpu.dma_semaphore, #tpu.memory_space<semaphore_mem>> -> memref<!tpu.dma_semaphore, #tpu.memory_space<semaphore_mem>>
    tpu.enqueue_indirect_dma source(%dma_start3A_14 : memref<100000x128xf32, #tpu.memory_space<hbm>>) target(%dma_start3A_8 : memref<128x128xf32, #tpu.memory_space<vmem>>) offsets(%dma_start3A_11 : memref<128xi32, #tpu.memory_space<vmem>>) semaphore(%dma_start3A_16 : memref<!tpu.dma_semaphore, #tpu.memory_space<semaphore_mem>>)
    %dma_start3A_17 = arith.constant 1 : i32
    %dma_start3A_18 = arith.constant 1 : i32
    %dma_start3A_19 = arith.constant 1 : i32
    %dma_start3A_20 = arith.constant 0 : i32
    %dma_start3A_21 = arith.constant 0 : i32
    %dma_start3A_22 = tpu.memref_slice %arg6[%dma_start3A_18, %dma_start3A_20, %dma_start3A_21] : memref<5x128x128xf32, #tpu.memory_space<vmem>> -> memref<1x128x128xf32, #tpu.memory_space<vmem>>
    %dma_start3A_23 = tpu.memref_squeeze %dma_start3A_22 : memref<1x128x128xf32, #tpu.memory_space<vmem>> -> memref<128x128xf32, #tpu.memory_space<vmem>>
    %dma_start3A_24 = arith.constant 0 : i32
    %dma_start3A_25 = tpu.memref_slice %arg5[%dma_start3A_17, %dma_start3A_24] : memref<50x128xi32, #tpu.memory_space<vmem>> -> memref<1x128xi32, #tpu.memory_space<vmem>>
    %dma_start3A_26 = tpu.memref_squeeze %dma_start3A_25 : memref<1x128xi32, #tpu.memory_space<vmem>> -> memref<128xi32, #tpu.memory_space<vmem>>
    %dma_start3A_27 = arith.constant 0 : i32
    %dma_start3A_28 = arith.constant 0 : i32
    %dma_start3A_29 = tpu.memref_slice %arg3[%dma_start3A_27, %dma_start3A_28] : memref<100000x128xf32, #tpu.memory_space<hbm>> -> memref<100000x128xf32, #tpu.memory_space<hbm>>
    %dma_start3A_30 = tpu.memref_slice %arg7[%dma_start3A_19] : memref<5x!tpu.dma_semaphore, #tpu.memory_space<semaphore_mem>> -> memref<1x!tpu.dma_semaphore, #tpu.memory_space<semaphore_mem>>
    %dma_start3A_31 = tpu.memref_squeeze %dma_start3A_30 : memref<1x!tpu.dma_semaphore, #tpu.memory_space<semaphore_mem>> -> memref<!tpu.dma_semaphore, #tpu.memory_space<semaphore_mem>>
    tpu.enqueue_indirect_dma source(%dma_start3A_29 : memref<100000x128xf32, #tpu.memory_space<hbm>>) target(%dma_start3A_23 : memref<128x128xf32, #tpu.memory_space<vmem>>) offsets(%dma_start3A_26 : memref<128xi32, #tpu.memory_space<vmem>>) semaphore(%dma_start3A_31 : memref<!tpu.dma_semaphore, #tpu.memory_space<semaphore_mem>>)
    %dma_start3A_32 = arith.constant 2 : i32
    %dma_start3A_33 = arith.constant 2 : i32
    %dma_start3A_34 = arith.constant 2 : i32
    %dma_start3A_35 = arith.constant 0 : i32
    %dma_start3A_36 = arith.constant 0 : i32
    %dma_start3A_37 = tpu.memref_slice %arg6[%dma_start3A_33, %dma_start3A_35, %dma_start3A_36] : memref<5x128x128xf32, #tpu.memory_space<vmem>> -> memref<1x128x128xf32, #tpu.memory_space<vmem>>
    %dma_start3A_38 = tpu.memref_squeeze %dma_start3A_37 : memref<1x128x128xf32, #tpu.memory_space<vmem>> -> memref<128x128xf32, #tpu.memory_space<vmem>>
    %dma_start3A_39 = arith.constant 0 : i32
    %dma_start3A_40 = tpu.memref_slice %arg5[%dma_start3A_32, %dma_start3A_39] : memref<50x128xi32, #tpu.memory_space<vmem>> -> memref<1x128xi32, #tpu.memory_space<vmem>>
    %dma_start3A_41 = tpu.memref_squeeze %dma_start3A_40 : memref<1x128xi32, #tpu.memory_space<vmem>> -> memref<128xi32, #tpu.memory_space<vmem>>
    %dma_start3A_42 = arith.constant 0 : i32
    %dma_start3A_43 = arith.constant 0 : i32
    %dma_start3A_44 = tpu.memref_slice %arg3[%dma_start3A_42, %dma_start3A_43] : memref<100000x128xf32, #tpu.memory_space<hbm>> -> memref<100000x128xf32, #tpu.memory_space<hbm>>
    %dma_start3A_45 = tpu.memref_slice %arg7[%dma_start3A_34] : memref<5x!tpu.dma_semaphore, #tpu.memory_space<semaphore_mem>> -> memref<1x!tpu.dma_semaphore, #tpu.memory_space<semaphore_mem>>
    %dma_start3A_46 = tpu.memref_squeeze %dma_start3A_45 : memref<1x!tpu.dma_semaphore, #tpu.memory_space<semaphore_mem>> -> memref<!tpu.dma_semaphore, #tpu.memory_space<semaphore_mem>>
    tpu.enqueue_indirect_dma source(%dma_start3A_44 : memref<100000x128xf32, #tpu.memory_space<hbm>>) target(%dma_start3A_38 : memref<128x128xf32, #tpu.memory_space<vmem>>) offsets(%dma_start3A_41 : memref<128xi32, #tpu.memory_space<vmem>>) semaphore(%dma_start3A_46 : memref<!tpu.dma_semaphore, #tpu.memory_space<semaphore_mem>>)
    %dma_start3A_47 = arith.constant 3 : i32
    %dma_start3A_48 = arith.constant 3 : i32
    %dma_start3A_49 = arith.constant 3 : i32
    %dma_start3A_50 = arith.constant 0 : i32
    %dma_start3A_51 = arith.constant 0 : i32
    %dma_start3A_52 = tpu.memref_slice %arg6[%dma_start3A_48, %dma_start3A_50, %dma_start3A_51] : memref<5x128x128xf32, #tpu.memory_space<vmem>> -> memref<1x128x128xf32, #tpu.memory_space<vmem>>
    %dma_start3A_53 = tpu.memref_squeeze %dma_start3A_52 : memref<1x128x128xf32, #tpu.memory_space<vmem>> -> memref<128x128xf32, #tpu.memory_space<vmem>>
    %dma_start3A_54 = arith.constant 0 : i32
    %dma_start3A_55 = tpu.memref_slice %arg5[%dma_start3A_47, %dma_start3A_54] : memref<50x128xi32, #tpu.memory_space<vmem>> -> memref<1x128xi32, #tpu.memory_space<vmem>>
    %dma_start3A_56 = tpu.memref_squeeze %dma_start3A_55 : memref<1x128xi32, #tpu.memory_space<vmem>> -> memref<128xi32, #tpu.memory_space<vmem>>
    %dma_start3A_57 = arith.constant 0 : i32
    %dma_start3A_58 = arith.constant 0 : i32
    %dma_start3A_59 = tpu.memref_slice %arg3[%dma_start3A_57, %dma_start3A_58] : memref<100000x128xf32, #tpu.memory_space<hbm>> -> memref<100000x128xf32, #tpu.memory_space<hbm>>
    %dma_start3A_60 = tpu.memref_slice %arg7[%dma_start3A_49] : memref<5x!tpu.dma_semaphore, #tpu.memory_space<semaphore_mem>> -> memref<1x!tpu.dma_semaphore, #tpu.memory_space<semaphore_mem>>
    %dma_start3A_61 = tpu.memref_squeeze %dma_start3A_60 : memref<1x!tpu.dma_semaphore, #tpu.memory_space<semaphore_mem>> -> memref<!tpu.dma_semaphore, #tpu.memory_space<semaphore_mem>>
    tpu.enqueue_indirect_dma source(%dma_start3A_59 : memref<100000x128xf32, #tpu.memory_space<hbm>>) target(%dma_start3A_53 : memref<128x128xf32, #tpu.memory_space<vmem>>) offsets(%dma_start3A_56 : memref<128xi32, #tpu.memory_space<vmem>>) semaphore(%dma_start3A_61 : memref<!tpu.dma_semaphore, #tpu.memory_space<semaphore_mem>>)
    %dma_start3A_62 = arith.constant 4 : i32
    %dma_start3A_63 = arith.constant 4 : i32
    %dma_start3A_64 = arith.constant 4 : i32
    %dma_start3A_65 = arith.constant 0 : i32
    %dma_start3A_66 = arith.constant 0 : i32
    %dma_start3A_67 = tpu.memref_slice %arg6[%dma_start3A_63, %dma_start3A_65, %dma_start3A_66] : memref<5x128x128xf32, #tpu.memory_space<vmem>> -> memref<1x128x128xf32, #tpu.memory_space<vmem>>
    %dma_start3A_68 = tpu.memref_squeeze %dma_start3A_67 : memref<1x128x128xf32, #tpu.memory_space<vmem>> -> memref<128x128xf32, #tpu.memory_space<vmem>>
    %dma_start3A_69 = arith.constant 0 : i32
    %dma_start3A_70 = tpu.memref_slice %arg5[%dma_start3A_62, %dma_start3A_69] : memref<50x128xi32, #tpu.memory_space<vmem>> -> memref<1x128xi32, #tpu.memory_space<vmem>>
    %dma_start3A_71 = tpu.memref_squeeze %dma_start3A_70 : memref<1x128xi32, #tpu.memory_space<vmem>> -> memref<128xi32, #tpu.memory_space<vmem>>
    %dma_start3A_72 = arith.constant 0 : i32
    %dma_start3A_73 = arith.constant 0 : i32
    %dma_start3A_74 = tpu.memref_slice %arg3[%dma_start3A_72, %dma_start3A_73] : memref<100000x128xf32, #tpu.memory_space<hbm>> -> memref<100000x128xf32, #tpu.memory_space<hbm>>
    %dma_start3A_75 = tpu.memref_slice %arg7[%dma_start3A_64] : memref<5x!tpu.dma_semaphore, #tpu.memory_space<semaphore_mem>> -> memref<1x!tpu.dma_semaphore, #tpu.memory_space<semaphore_mem>>
    %dma_start3A_76 = tpu.memref_squeeze %dma_start3A_75 : memref<1x!tpu.dma_semaphore, #tpu.memory_space<semaphore_mem>> -> memref<!tpu.dma_semaphore, #tpu.memory_space<semaphore_mem>>
    tpu.enqueue_indirect_dma source(%dma_start3A_74 : memref<100000x128xf32, #tpu.memory_space<hbm>>) target(%dma_start3A_68 : memref<128x128xf32, #tpu.memory_space<vmem>>) offsets(%dma_start3A_71 : memref<128xi32, #tpu.memory_space<vmem>>) semaphore(%dma_start3A_76 : memref<!tpu.dma_semaphore, #tpu.memory_space<semaphore_mem>>)
    %dma_wait3A = arith.constant 0 : i32
    %dma_wait3A_77 = arith.constant 0 : i32
    %dma_wait3A_78 = arith.constant 0 : i32
    %dma_wait3A_79 = arith.constant 0 : i32
    %dma_wait3A_80 = tpu.memref_slice %arg6[%dma_wait3A, %dma_wait3A_78, %dma_wait3A_79] : memref<5x128x128xf32, #tpu.memory_space<vmem>> -> memref<1x128x128xf32, #tpu.memory_space<vmem>>
    %dma_wait3A_81 = tpu.memref_squeeze %dma_wait3A_80 : memref<1x128x128xf32, #tpu.memory_space<vmem>> -> memref<128x128xf32, #tpu.memory_space<vmem>>
    %dma_wait3A_82 = arith.constant 0 : i32
    %dma_wait3A_83 = arith.constant 0 : i32
    %dma_wait3A_84 = tpu.memref_slice %arg3[%dma_wait3A_82, %dma_wait3A_83] : memref<100000x128xf32, #tpu.memory_space<hbm>> -> memref<128x128xf32, #tpu.memory_space<hbm>>
    %dma_wait3A_85 = tpu.memref_slice %arg7[%dma_wait3A_77] : memref<5x!tpu.dma_semaphore, #tpu.memory_space<semaphore_mem>> -> memref<1x!tpu.dma_semaphore, #tpu.memory_space<semaphore_mem>>
    %dma_wait3A_86 = tpu.memref_squeeze %dma_wait3A_85 : memref<1x!tpu.dma_semaphore, #tpu.memory_space<semaphore_mem>> -> memref<!tpu.dma_semaphore, #tpu.memory_space<semaphore_mem>>
    %dma_wait3A_87 = arith.constant 0 : i32
    %dma_wait3A_88 = arith.constant 0 : i32
    %dma_wait3A_89 = tpu.memref_slice %arg6[%dma_wait3A, %dma_wait3A_87, %dma_wait3A_88] : memref<5x128x128xf32, #tpu.memory_space<vmem>> -> memref<1x128x128xf32, #tpu.memory_space<vmem>>
    %dma_wait3A_90 = tpu.memref_squeeze %dma_wait3A_89 : memref<1x128x128xf32, #tpu.memory_space<vmem>> -> memref<128x128xf32, #tpu.memory_space<vmem>>
    %dma_wait3A_91 = arith.constant 0 : i32
    %dma_wait3A_92 = arith.constant 0 : i32
    %dma_wait3A_93 = tpu.memref_slice %arg3[%dma_wait3A_91, %dma_wait3A_92] : memref<100000x128xf32, #tpu.memory_space<hbm>> -> memref<128x128xf32, #tpu.memory_space<hbm>>
    tpu.wait_dma2 semaphore(%dma_wait3A_86 : memref<!tpu.dma_semaphore, #tpu.memory_space<semaphore_mem>>) src(%dma_wait3A_93 : memref<128x128xf32, #tpu.memory_space<hbm>>) dst(%dma_wait3A_90 : memref<128x128xf32, #tpu.memory_space<vmem>>)
    %add3A_94 = arith.constant 0 : i32
    %add3A_95 = arith.addi %mul3A_2, %add3A_94 : i32
    %dma_start3A_96 = arith.constant 0 : i32
    %dma_start3A_97 = arith.constant 0 : i32
    %dma_start3A_98 = arith.constant 0 : i32
    %dma_start3A_99 = arith.constant 0 : i32
    %dma_start3A_100 = tpu.memref_slice %arg6[%dma_start3A_96, %dma_start3A_98, %dma_start3A_99] : memref<5x128x128xf32, #tpu.memory_space<vmem>> -> memref<1x128x128xf32, #tpu.memory_space<vmem>>
    %dma_start3A_101 = tpu.memref_squeeze %dma_start3A_100 : memref<1x128x128xf32, #tpu.memory_space<vmem>> -> memref<128x128xf32, #tpu.memory_space<vmem>>
    %dma_start3A_102 = arith.constant 0 : i32
    %dma_start3A_103 = tpu.memref_slice %arg4[%add3A_95, %dma_start3A_102] : memref<204800x128xf32, #tpu.memory_space<hbm>> -> memref<128x128xf32, #tpu.memory_space<hbm>>
    %dma_start3A_104 = tpu.memref_slice %arg8[%dma_start3A_97] : memref<5x!tpu.dma_semaphore, #tpu.memory_space<semaphore_mem>> -> memref<1x!tpu.dma_semaphore, #tpu.memory_space<semaphore_mem>>
    %dma_start3A_105 = tpu.memref_squeeze %dma_start3A_104 : memref<1x!tpu.dma_semaphore, #tpu.memory_space<semaphore_mem>> -> memref<!tpu.dma_semaphore, #tpu.memory_space<semaphore_mem>>
    %dma_start3A_106 = arith.constant 0 : i32
    %dma_start3A_107 = tpu.memref_slice %arg4[%add3A_95, %dma_start3A_106] : memref<204800x128xf32, #tpu.memory_space<hbm>> -> memref<128x128xf32, #tpu.memory_space<hbm>>
    %dma_start3A_108 = arith.constant 0 : i32
    %dma_start3A_109 = arith.constant 0 : i32
    %dma_start3A_110 = tpu.memref_slice %arg6[%dma_start3A_96, %dma_start3A_108, %dma_start3A_109] : memref<5x128x128xf32, #tpu.memory_space<vmem>> -> memref<1x128x128xf32, #tpu.memory_space<vmem>>
    %dma_start3A_111 = tpu.memref_squeeze %dma_start3A_110 : memref<1x128x128xf32, #tpu.memory_space<vmem>> -> memref<128x128xf32, #tpu.memory_space<vmem>>
    tpu.enqueue_dma source(%dma_start3A_111 : memref<128x128xf32, #tpu.memory_space<vmem>>) target(%dma_start3A_107 : memref<128x128xf32, #tpu.memory_space<hbm>>) target_semaphore(%dma_start3A_105 : memref<!tpu.dma_semaphore, #tpu.memory_space<semaphore_mem>>)
    %scan3A = arith.constant 0 : i32
    %scan3A_112 = arith.constant 9 : i32
    %scan3A_113 = arith.addi %scan3A, %scan3A_112 : i32
    %scan3A_114 = arith.constant 1 : i32
    scf.for %scan3A_350 = %scan3A to %scan3A_113 step %scan3A_114  : i32 {
      %mul3A_351 = arith.constant 5 : i32
      %mul3A_352 = arith.muli %scan3A_350, %mul3A_351 : i32
      %add3A_353 = arith.constant 5 : i32
      %add3A_354 = arith.addi %add3A_353, %mul3A_352 : i32
      %add3A_355 = arith.constant 0 : i32
      %add3A_356 = arith.addi %add3A_354, %add3A_355 : i32
      %sub3A = arith.constant 5 : i32
      %sub3A_357 = arith.subi %add3A_356, %sub3A : i32
      %mul3A_358 = arith.constant 128 : i32
      %mul3A_359 = arith.muli %sub3A_357, %mul3A_358 : i32
      %add3A_360 = arith.addi %mul3A_2, %mul3A_359 : i32
      %dma_wait3A_361 = arith.constant 0 : i32
      %dma_wait3A_362 = arith.constant 0 : i32
      %dma_wait3A_363 = arith.constant 0 : i32
      %dma_wait3A_364 = arith.constant 0 : i32
      %dma_wait3A_365 = tpu.memref_slice %arg6[%dma_wait3A_361, %dma_wait3A_363, %dma_wait3A_364] : memref<5x128x128xf32, #tpu.memory_space<vmem>> -> memref<1x128x128xf32, #tpu.memory_space<vmem>>
      %dma_wait3A_366 = tpu.memref_squeeze %dma_wait3A_365 : memref<1x128x128xf32, #tpu.memory_space<vmem>> -> memref<128x128xf32, #tpu.memory_space<vmem>>
      %dma_wait3A_367 = arith.constant 0 : i32
      %dma_wait3A_368 = tpu.memref_slice %arg4[%add3A_360, %dma_wait3A_367] : memref<204800x128xf32, #tpu.memory_space<hbm>> -> memref<128x128xf32, #tpu.memory_space<hbm>>
      %dma_wait3A_369 = tpu.memref_slice %arg8[%dma_wait3A_362] : memref<5x!tpu.dma_semaphore, #tpu.memory_space<semaphore_mem>> -> memref<1x!tpu.dma_semaphore, #tpu.memory_space<semaphore_mem>>
      %dma_wait3A_370 = tpu.memref_squeeze %dma_wait3A_369 : memref<1x!tpu.dma_semaphore, #tpu.memory_space<semaphore_mem>> -> memref<!tpu.dma_semaphore, #tpu.memory_space<semaphore_mem>>
      %dma_wait3A_371 = arith.constant 0 : i32
      %dma_wait3A_372 = tpu.memref_slice %arg4[%add3A_360, %dma_wait3A_371] : memref<204800x128xf32, #tpu.memory_space<hbm>> -> memref<128x128xf32, #tpu.memory_space<hbm>>
      %dma_wait3A_373 = arith.constant 0 : i32
      %dma_wait3A_374 = arith.constant 0 : i32
      %dma_wait3A_375 = tpu.memref_slice %arg6[%dma_wait3A_361, %dma_wait3A_373, %dma_wait3A_374] : memref<5x128x128xf32, #tpu.memory_space<vmem>> -> memref<1x128x128xf32, #tpu.memory_space<vmem>>
      %dma_wait3A_376 = tpu.memref_squeeze %dma_wait3A_375 : memref<1x128x128xf32, #tpu.memory_space<vmem>> -> memref<128x128xf32, #tpu.memory_space<vmem>>
      tpu.wait_dma2 semaphore(%dma_wait3A_370 : memref<!tpu.dma_semaphore, #tpu.memory_space<semaphore_mem>>) src(%dma_wait3A_376 : memref<128x128xf32, #tpu.memory_space<vmem>>) dst(%dma_wait3A_372 : memref<128x128xf32, #tpu.memory_space<hbm>>)
      %dma_start3A_377 = arith.constant 0 : i32
      %dma_start3A_378 = arith.constant 0 : i32
      %dma_start3A_379 = arith.constant 0 : i32
      %dma_start3A_380 = arith.constant 0 : i32
      %dma_start3A_381 = tpu.memref_slice %arg6[%dma_start3A_377, %dma_start3A_379, %dma_start3A_380] : memref<5x128x128xf32, #tpu.memory_space<vmem>> -> memref<1x128x128xf32, #tpu.memory_space<vmem>>
      %dma_start3A_382 = tpu.memref_squeeze %dma_start3A_381 : memref<1x128x128xf32, #tpu.memory_space<vmem>> -> memref<128x128xf32, #tpu.memory_space<vmem>>
      %dma_start3A_383 = arith.constant 0 : i32
      %dma_start3A_384 = tpu.memref_slice %arg5[%add3A_356, %dma_start3A_383] : memref<50x128xi32, #tpu.memory_space<vmem>> -> memref<1x128xi32, #tpu.memory_space<vmem>>
      %dma_start3A_385 = tpu.memref_squeeze %dma_start3A_384 : memref<1x128xi32, #tpu.memory_space<vmem>> -> memref<128xi32, #tpu.memory_space<vmem>>
      %dma_start3A_386 = arith.constant 0 : i32
      %dma_start3A_387 = arith.constant 0 : i32
      %dma_start3A_388 = tpu.memref_slice %arg3[%dma_start3A_386, %dma_start3A_387] : memref<100000x128xf32, #tpu.memory_space<hbm>> -> memref<100000x128xf32, #tpu.memory_space<hbm>>
      %dma_start3A_389 = tpu.memref_slice %arg7[%dma_start3A_378] : memref<5x!tpu.dma_semaphore, #tpu.memory_space<semaphore_mem>> -> memref<1x!tpu.dma_semaphore, #tpu.memory_space<semaphore_mem>>
      %dma_start3A_390 = tpu.memref_squeeze %dma_start3A_389 : memref<1x!tpu.dma_semaphore, #tpu.memory_space<semaphore_mem>> -> memref<!tpu.dma_semaphore, #tpu.memory_space<semaphore_mem>>
      tpu.enqueue_indirect_dma source(%dma_start3A_388 : memref<100000x128xf32, #tpu.memory_space<hbm>>) target(%dma_start3A_382 : memref<128x128xf32, #tpu.memory_space<vmem>>) offsets(%dma_start3A_385 : memref<128xi32, #tpu.memory_space<vmem>>) semaphore(%dma_start3A_390 : memref<!tpu.dma_semaphore, #tpu.memory_space<semaphore_mem>>)
      %dma_wait3A_391 = arith.constant 1 : i32
      %dma_wait3A_392 = arith.constant 1 : i32
      %dma_wait3A_393 = arith.constant 0 : i32
      %dma_wait3A_394 = arith.constant 0 : i32
      %dma_wait3A_395 = tpu.memref_slice %arg6[%dma_wait3A_391, %dma_wait3A_393, %dma_wait3A_394] : memref<5x128x128xf32, #tpu.memory_space<vmem>> -> memref<1x128x128xf32, #tpu.memory_space<vmem>>
      %dma_wait3A_396 = tpu.memref_squeeze %dma_wait3A_395 : memref<1x128x128xf32, #tpu.memory_space<vmem>> -> memref<128x128xf32, #tpu.memory_space<vmem>>
      %dma_wait3A_397 = arith.constant 0 : i32
      %dma_wait3A_398 = arith.constant 0 : i32
      %dma_wait3A_399 = tpu.memref_slice %arg3[%dma_wait3A_397, %dma_wait3A_398] : memref<100000x128xf32, #tpu.memory_space<hbm>> -> memref<128x128xf32, #tpu.memory_space<hbm>>
      %dma_wait3A_400 = tpu.memref_slice %arg7[%dma_wait3A_392] : memref<5x!tpu.dma_semaphore, #tpu.memory_space<semaphore_mem>> -> memref<1x!tpu.dma_semaphore, #tpu.memory_space<semaphore_mem>>
      %dma_wait3A_401 = tpu.memref_squeeze %dma_wait3A_400 : memref<1x!tpu.dma_semaphore, #tpu.memory_space<semaphore_mem>> -> memref<!tpu.dma_semaphore, #tpu.memory_space<semaphore_mem>>
      %dma_wait3A_402 = arith.constant 0 : i32
      %dma_wait3A_403 = arith.constant 0 : i32
      %dma_wait3A_404 = tpu.memref_slice %arg6[%dma_wait3A_391, %dma_wait3A_402, %dma_wait3A_403] : memref<5x128x128xf32, #tpu.memory_space<vmem>> -> memref<1x128x128xf32, #tpu.memory_space<vmem>>
      %dma_wait3A_405 = tpu.memref_squeeze %dma_wait3A_404 : memref<1x128x128xf32, #tpu.memory_space<vmem>> -> memref<128x128xf32, #tpu.memory_space<vmem>>
      %dma_wait3A_406 = arith.constant 0 : i32
      %dma_wait3A_407 = arith.constant 0 : i32
      %dma_wait3A_408 = tpu.memref_slice %arg3[%dma_wait3A_406, %dma_wait3A_407] : memref<100000x128xf32, #tpu.memory_space<hbm>> -> memref<128x128xf32, #tpu.memory_space<hbm>>
      tpu.wait_dma2 semaphore(%dma_wait3A_401 : memref<!tpu.dma_semaphore, #tpu.memory_space<semaphore_mem>>) src(%dma_wait3A_408 : memref<128x128xf32, #tpu.memory_space<hbm>>) dst(%dma_wait3A_405 : memref<128x128xf32, #tpu.memory_space<vmem>>)
      %sub3A_409 = arith.constant 4 : i32
      %sub3A_410 = arith.subi %add3A_356, %sub3A_409 : i32
      %mul3A_411 = arith.constant 128 : i32
      %mul3A_412 = arith.muli %sub3A_410, %mul3A_411 : i32
      %add3A_413 = arith.addi %mul3A_2, %mul3A_412 : i32
      %dma_start3A_414 = arith.constant 1 : i32
      %dma_start3A_415 = arith.constant 1 : i32
      %dma_start3A_416 = arith.constant 0 : i32
      %dma_start3A_417 = arith.constant 0 : i32
      %dma_start3A_418 = tpu.memref_slice %arg6[%dma_start3A_414, %dma_start3A_416, %dma_start3A_417] : memref<5x128x128xf32, #tpu.memory_space<vmem>> -> memref<1x128x128xf32, #tpu.memory_space<vmem>>
      %dma_start3A_419 = tpu.memref_squeeze %dma_start3A_418 : memref<1x128x128xf32, #tpu.memory_space<vmem>> -> memref<128x128xf32, #tpu.memory_space<vmem>>
      %dma_start3A_420 = arith.constant 0 : i32
      %dma_start3A_421 = tpu.memref_slice %arg4[%add3A_413, %dma_start3A_420] : memref<204800x128xf32, #tpu.memory_space<hbm>> -> memref<128x128xf32, #tpu.memory_space<hbm>>
      %dma_start3A_422 = tpu.memref_slice %arg8[%dma_start3A_415] : memref<5x!tpu.dma_semaphore, #tpu.memory_space<semaphore_mem>> -> memref<1x!tpu.dma_semaphore, #tpu.memory_space<semaphore_mem>>
      %dma_start3A_423 = tpu.memref_squeeze %dma_start3A_422 : memref<1x!tpu.dma_semaphore, #tpu.memory_space<semaphore_mem>> -> memref<!tpu.dma_semaphore, #tpu.memory_space<semaphore_mem>>
      %dma_start3A_424 = arith.constant 0 : i32
      %dma_start3A_425 = tpu.memref_slice %arg4[%add3A_413, %dma_start3A_424] : memref<204800x128xf32, #tpu.memory_space<hbm>> -> memref<128x128xf32, #tpu.memory_space<hbm>>
      %dma_start3A_426 = arith.constant 0 : i32
      %dma_start3A_427 = arith.constant 0 : i32
      %dma_start3A_428 = tpu.memref_slice %arg6[%dma_start3A_414, %dma_start3A_426, %dma_start3A_427] : memref<5x128x128xf32, #tpu.memory_space<vmem>> -> memref<1x128x128xf32, #tpu.memory_space<vmem>>
      %dma_start3A_429 = tpu.memref_squeeze %dma_start3A_428 : memref<1x128x128xf32, #tpu.memory_space<vmem>> -> memref<128x128xf32, #tpu.memory_space<vmem>>
      tpu.enqueue_dma source(%dma_start3A_429 : memref<128x128xf32, #tpu.memory_space<vmem>>) target(%dma_start3A_425 : memref<128x128xf32, #tpu.memory_space<hbm>>) target_semaphore(%dma_start3A_423 : memref<!tpu.dma_semaphore, #tpu.memory_space<semaphore_mem>>)
      %add3A_430 = arith.constant 1 : i32
      %add3A_431 = arith.addi %add3A_354, %add3A_430 : i32
      %sub3A_432 = arith.constant 5 : i32
      %sub3A_433 = arith.subi %add3A_431, %sub3A_432 : i32
      %mul3A_434 = arith.constant 128 : i32
      %mul3A_435 = arith.muli %sub3A_433, %mul3A_434 : i32
      %add3A_436 = arith.addi %mul3A_2, %mul3A_435 : i32
      %dma_wait3A_437 = arith.constant 1 : i32
      %dma_wait3A_438 = arith.constant 1 : i32
      %dma_wait3A_439 = arith.constant 0 : i32
      %dma_wait3A_440 = arith.constant 0 : i32
      %dma_wait3A_441 = tpu.memref_slice %arg6[%dma_wait3A_437, %dma_wait3A_439, %dma_wait3A_440] : memref<5x128x128xf32, #tpu.memory_space<vmem>> -> memref<1x128x128xf32, #tpu.memory_space<vmem>>
      %dma_wait3A_442 = tpu.memref_squeeze %dma_wait3A_441 : memref<1x128x128xf32, #tpu.memory_space<vmem>> -> memref<128x128xf32, #tpu.memory_space<vmem>>
      %dma_wait3A_443 = arith.constant 0 : i32
      %dma_wait3A_444 = tpu.memref_slice %arg4[%add3A_436, %dma_wait3A_443] : memref<204800x128xf32, #tpu.memory_space<hbm>> -> memref<128x128xf32, #tpu.memory_space<hbm>>
      %dma_wait3A_445 = tpu.memref_slice %arg8[%dma_wait3A_438] : memref<5x!tpu.dma_semaphore, #tpu.memory_space<semaphore_mem>> -> memref<1x!tpu.dma_semaphore, #tpu.memory_space<semaphore_mem>>
      %dma_wait3A_446 = tpu.memref_squeeze %dma_wait3A_445 : memref<1x!tpu.dma_semaphore, #tpu.memory_space<semaphore_mem>> -> memref<!tpu.dma_semaphore, #tpu.memory_space<semaphore_mem>>
      %dma_wait3A_447 = arith.constant 0 : i32
      %dma_wait3A_448 = tpu.memref_slice %arg4[%add3A_436, %dma_wait3A_447] : memref<204800x128xf32, #tpu.memory_space<hbm>> -> memref<128x128xf32, #tpu.memory_space<hbm>>
      %dma_wait3A_449 = arith.constant 0 : i32
      %dma_wait3A_450 = arith.constant 0 : i32
      %dma_wait3A_451 = tpu.memref_slice %arg6[%dma_wait3A_437, %dma_wait3A_449, %dma_wait3A_450] : memref<5x128x128xf32, #tpu.memory_space<vmem>> -> memref<1x128x128xf32, #tpu.memory_space<vmem>>
      %dma_wait3A_452 = tpu.memref_squeeze %dma_wait3A_451 : memref<1x128x128xf32, #tpu.memory_space<vmem>> -> memref<128x128xf32, #tpu.memory_space<vmem>>
      tpu.wait_dma2 semaphore(%dma_wait3A_446 : memref<!tpu.dma_semaphore, #tpu.memory_space<semaphore_mem>>) src(%dma_wait3A_452 : memref<128x128xf32, #tpu.memory_space<vmem>>) dst(%dma_wait3A_448 : memref<128x128xf32, #tpu.memory_space<hbm>>)
      %dma_start3A_453 = arith.constant 1 : i32
      %dma_start3A_454 = arith.constant 1 : i32
      %dma_start3A_455 = arith.constant 0 : i32
      %dma_start3A_456 = arith.constant 0 : i32
      %dma_start3A_457 = tpu.memref_slice %arg6[%dma_start3A_453, %dma_start3A_455, %dma_start3A_456] : memref<5x128x128xf32, #tpu.memory_space<vmem>> -> memref<1x128x128xf32, #tpu.memory_space<vmem>>
      %dma_start3A_458 = tpu.memref_squeeze %dma_start3A_457 : memref<1x128x128xf32, #tpu.memory_space<vmem>> -> memref<128x128xf32, #tpu.memory_space<vmem>>
      %dma_start3A_459 = arith.constant 0 : i32
      %dma_start3A_460 = tpu.memref_slice %arg5[%add3A_431, %dma_start3A_459] : memref<50x128xi32, #tpu.memory_space<vmem>> -> memref<1x128xi32, #tpu.memory_space<vmem>>
      %dma_start3A_461 = tpu.memref_squeeze %dma_start3A_460 : memref<1x128xi32, #tpu.memory_space<vmem>> -> memref<128xi32, #tpu.memory_space<vmem>>
      %dma_start3A_462 = arith.constant 0 : i32
      %dma_start3A_463 = arith.constant 0 : i32
      %dma_start3A_464 = tpu.memref_slice %arg3[%dma_start3A_462, %dma_start3A_463] : memref<100000x128xf32, #tpu.memory_space<hbm>> -> memref<100000x128xf32, #tpu.memory_space<hbm>>
      %dma_start3A_465 = tpu.memref_slice %arg7[%dma_start3A_454] : memref<5x!tpu.dma_semaphore, #tpu.memory_space<semaphore_mem>> -> memref<1x!tpu.dma_semaphore, #tpu.memory_space<semaphore_mem>>
      %dma_start3A_466 = tpu.memref_squeeze %dma_start3A_465 : memref<1x!tpu.dma_semaphore, #tpu.memory_space<semaphore_mem>> -> memref<!tpu.dma_semaphore, #tpu.memory_space<semaphore_mem>>
      tpu.enqueue_indirect_dma source(%dma_start3A_464 : memref<100000x128xf32, #tpu.memory_space<hbm>>) target(%dma_start3A_458 : memref<128x128xf32, #tpu.memory_space<vmem>>) offsets(%dma_start3A_461 : memref<128xi32, #tpu.memory_space<vmem>>) semaphore(%dma_start3A_466 : memref<!tpu.dma_semaphore, #tpu.memory_space<semaphore_mem>>)
      %dma_wait3A_467 = arith.constant 2 : i32
      %dma_wait3A_468 = arith.constant 2 : i32
      %dma_wait3A_469 = arith.constant 0 : i32
      %dma_wait3A_470 = arith.constant 0 : i32
      %dma_wait3A_471 = tpu.memref_slice %arg6[%dma_wait3A_467, %dma_wait3A_469, %dma_wait3A_470] : memref<5x128x128xf32, #tpu.memory_space<vmem>> -> memref<1x128x128xf32, #tpu.memory_space<vmem>>
      %dma_wait3A_472 = tpu.memref_squeeze %dma_wait3A_471 : memref<1x128x128xf32, #tpu.memory_space<vmem>> -> memref<128x128xf32, #tpu.memory_space<vmem>>
      %dma_wait3A_473 = arith.constant 0 : i32
      %dma_wait3A_474 = arith.constant 0 : i32
      %dma_wait3A_475 = tpu.memref_slice %arg3[%dma_wait3A_473, %dma_wait3A_474] : memref<100000x128xf32, #tpu.memory_space<hbm>> -> memref<128x128xf32, #tpu.memory_space<hbm>>
      %dma_wait3A_476 = tpu.memref_slice %arg7[%dma_wait3A_468] : memref<5x!tpu.dma_semaphore, #tpu.memory_space<semaphore_mem>> -> memref<1x!tpu.dma_semaphore, #tpu.memory_space<semaphore_mem>>
      %dma_wait3A_477 = tpu.memref_squeeze %dma_wait3A_476 : memref<1x!tpu.dma_semaphore, #tpu.memory_space<semaphore_mem>> -> memref<!tpu.dma_semaphore, #tpu.memory_space<semaphore_mem>>
      %dma_wait3A_478 = arith.constant 0 : i32
      %dma_wait3A_479 = arith.constant 0 : i32
      %dma_wait3A_480 = tpu.memref_slice %arg6[%dma_wait3A_467, %dma_wait3A_478, %dma_wait3A_479] : memref<5x128x128xf32, #tpu.memory_space<vmem>> -> memref<1x128x128xf32, #tpu.memory_space<vmem>>
      %dma_wait3A_481 = tpu.memref_squeeze %dma_wait3A_480 : memref<1x128x128xf32, #tpu.memory_space<vmem>> -> memref<128x128xf32, #tpu.memory_space<vmem>>
      %dma_wait3A_482 = arith.constant 0 : i32
      %dma_wait3A_483 = arith.constant 0 : i32
      %dma_wait3A_484 = tpu.memref_slice %arg3[%dma_wait3A_482, %dma_wait3A_483] : memref<100000x128xf32, #tpu.memory_space<hbm>> -> memref<128x128xf32, #tpu.memory_space<hbm>>
      tpu.wait_dma2 semaphore(%dma_wait3A_477 : memref<!tpu.dma_semaphore, #tpu.memory_space<semaphore_mem>>) src(%dma_wait3A_484 : memref<128x128xf32, #tpu.memory_space<hbm>>) dst(%dma_wait3A_481 : memref<128x128xf32, #tpu.memory_space<vmem>>)
      %sub3A_485 = arith.constant 4 : i32
      %sub3A_486 = arith.subi %add3A_431, %sub3A_485 : i32
      %mul3A_487 = arith.constant 128 : i32
      %mul3A_488 = arith.muli %sub3A_486, %mul3A_487 : i32
      %add3A_489 = arith.addi %mul3A_2, %mul3A_488 : i32
      %dma_start3A_490 = arith.constant 2 : i32
      %dma_start3A_491 = arith.constant 2 : i32
      %dma_start3A_492 = arith.constant 0 : i32
      %dma_start3A_493 = arith.constant 0 : i32
      %dma_start3A_494 = tpu.memref_slice %arg6[%dma_start3A_490, %dma_start3A_492, %dma_start3A_493] : memref<5x128x128xf32, #tpu.memory_space<vmem>> -> memref<1x128x128xf32, #tpu.memory_space<vmem>>
      %dma_start3A_495 = tpu.memref_squeeze %dma_start3A_494 : memref<1x128x128xf32, #tpu.memory_space<vmem>> -> memref<128x128xf32, #tpu.memory_space<vmem>>
      %dma_start3A_496 = arith.constant 0 : i32
      %dma_start3A_497 = tpu.memref_slice %arg4[%add3A_489, %dma_start3A_496] : memref<204800x128xf32, #tpu.memory_space<hbm>> -> memref<128x128xf32, #tpu.memory_space<hbm>>
      %dma_start3A_498 = tpu.memref_slice %arg8[%dma_start3A_491] : memref<5x!tpu.dma_semaphore, #tpu.memory_space<semaphore_mem>> -> memref<1x!tpu.dma_semaphore, #tpu.memory_space<semaphore_mem>>
      %dma_start3A_499 = tpu.memref_squeeze %dma_start3A_498 : memref<1x!tpu.dma_semaphore, #tpu.memory_space<semaphore_mem>> -> memref<!tpu.dma_semaphore, #tpu.memory_space<semaphore_mem>>
      %dma_start3A_500 = arith.constant 0 : i32
      %dma_start3A_501 = tpu.memref_slice %arg4[%add3A_489, %dma_start3A_500] : memref<204800x128xf32, #tpu.memory_space<hbm>> -> memref<128x128xf32, #tpu.memory_space<hbm>>
      %dma_start3A_502 = arith.constant 0 : i32
      %dma_start3A_503 = arith.constant 0 : i32
      %dma_start3A_504 = tpu.memref_slice %arg6[%dma_start3A_490, %dma_start3A_502, %dma_start3A_503] : memref<5x128x128xf32, #tpu.memory_space<vmem>> -> memref<1x128x128xf32, #tpu.memory_space<vmem>>
      %dma_start3A_505 = tpu.memref_squeeze %dma_start3A_504 : memref<1x128x128xf32, #tpu.memory_space<vmem>> -> memref<128x128xf32, #tpu.memory_space<vmem>>
      tpu.enqueue_dma source(%dma_start3A_505 : memref<128x128xf32, #tpu.memory_space<vmem>>) target(%dma_start3A_501 : memref<128x128xf32, #tpu.memory_space<hbm>>) target_semaphore(%dma_start3A_499 : memref<!tpu.dma_semaphore, #tpu.memory_space<semaphore_mem>>)
      %add3A_506 = arith.constant 2 : i32
      %add3A_507 = arith.addi %add3A_354, %add3A_506 : i32
      %sub3A_508 = arith.constant 5 : i32
      %sub3A_509 = arith.subi %add3A_507, %sub3A_508 : i32
      %mul3A_510 = arith.constant 128 : i32
      %mul3A_511 = arith.muli %sub3A_509, %mul3A_510 : i32
      %add3A_512 = arith.addi %mul3A_2, %mul3A_511 : i32
      %dma_wait3A_513 = arith.constant 2 : i32
      %dma_wait3A_514 = arith.constant 2 : i32
      %dma_wait3A_515 = arith.constant 0 : i32
      %dma_wait3A_516 = arith.constant 0 : i32
      %dma_wait3A_517 = tpu.memref_slice %arg6[%dma_wait3A_513, %dma_wait3A_515, %dma_wait3A_516] : memref<5x128x128xf32, #tpu.memory_space<vmem>> -> memref<1x128x128xf32, #tpu.memory_space<vmem>>
      %dma_wait3A_518 = tpu.memref_squeeze %dma_wait3A_517 : memref<1x128x128xf32, #tpu.memory_space<vmem>> -> memref<128x128xf32, #tpu.memory_space<vmem>>
      %dma_wait3A_519 = arith.constant 0 : i32
      %dma_wait3A_520 = tpu.memref_slice %arg4[%add3A_512, %dma_wait3A_519] : memref<204800x128xf32, #tpu.memory_space<hbm>> -> memref<128x128xf32, #tpu.memory_space<hbm>>
      %dma_wait3A_521 = tpu.memref_slice %arg8[%dma_wait3A_514] : memref<5x!tpu.dma_semaphore, #tpu.memory_space<semaphore_mem>> -> memref<1x!tpu.dma_semaphore, #tpu.memory_space<semaphore_mem>>
      %dma_wait3A_522 = tpu.memref_squeeze %dma_wait3A_521 : memref<1x!tpu.dma_semaphore, #tpu.memory_space<semaphore_mem>> -> memref<!tpu.dma_semaphore, #tpu.memory_space<semaphore_mem>>
      %dma_wait3A_523 = arith.constant 0 : i32
      %dma_wait3A_524 = tpu.memref_slice %arg4[%add3A_512, %dma_wait3A_523] : memref<204800x128xf32, #tpu.memory_space<hbm>> -> memref<128x128xf32, #tpu.memory_space<hbm>>
      %dma_wait3A_525 = arith.constant 0 : i32
      %dma_wait3A_526 = arith.constant 0 : i32
      %dma_wait3A_527 = tpu.memref_slice %arg6[%dma_wait3A_513, %dma_wait3A_525, %dma_wait3A_526] : memref<5x128x128xf32, #tpu.memory_space<vmem>> -> memref<1x128x128xf32, #tpu.memory_space<vmem>>
      %dma_wait3A_528 = tpu.memref_squeeze %dma_wait3A_527 : memref<1x128x128xf32, #tpu.memory_space<vmem>> -> memref<128x128xf32, #tpu.memory_space<vmem>>
      tpu.wait_dma2 semaphore(%dma_wait3A_522 : memref<!tpu.dma_semaphore, #tpu.memory_space<semaphore_mem>>) src(%dma_wait3A_528 : memref<128x128xf32, #tpu.memory_space<vmem>>) dst(%dma_wait3A_524 : memref<128x128xf32, #tpu.memory_space<hbm>>)
      %dma_start3A_529 = arith.constant 2 : i32
      %dma_start3A_530 = arith.constant 2 : i32
      %dma_start3A_531 = arith.constant 0 : i32
      %dma_start3A_532 = arith.constant 0 : i32
      %dma_start3A_533 = tpu.memref_slice %arg6[%dma_start3A_529, %dma_start3A_531, %dma_start3A_532] : memref<5x128x128xf32, #tpu.memory_space<vmem>> -> memref<1x128x128xf32, #tpu.memory_space<vmem>>
      %dma_start3A_534 = tpu.memref_squeeze %dma_start3A_533 : memref<1x128x128xf32, #tpu.memory_space<vmem>> -> memref<128x128xf32, #tpu.memory_space<vmem>>
      %dma_start3A_535 = arith.constant 0 : i32
      %dma_start3A_536 = tpu.memref_slice %arg5[%add3A_507, %dma_start3A_535] : memref<50x128xi32, #tpu.memory_space<vmem>> -> memref<1x128xi32, #tpu.memory_space<vmem>>
      %dma_start3A_537 = tpu.memref_squeeze %dma_start3A_536 : memref<1x128xi32, #tpu.memory_space<vmem>> -> memref<128xi32, #tpu.memory_space<vmem>>
      %dma_start3A_538 = arith.constant 0 : i32
      %dma_start3A_539 = arith.constant 0 : i32
      %dma_start3A_540 = tpu.memref_slice %arg3[%dma_start3A_538, %dma_start3A_539] : memref<100000x128xf32, #tpu.memory_space<hbm>> -> memref<100000x128xf32, #tpu.memory_space<hbm>>
      %dma_start3A_541 = tpu.memref_slice %arg7[%dma_start3A_530] : memref<5x!tpu.dma_semaphore, #tpu.memory_space<semaphore_mem>> -> memref<1x!tpu.dma_semaphore, #tpu.memory_space<semaphore_mem>>
      %dma_start3A_542 = tpu.memref_squeeze %dma_start3A_541 : memref<1x!tpu.dma_semaphore, #tpu.memory_space<semaphore_mem>> -> memref<!tpu.dma_semaphore, #tpu.memory_space<semaphore_mem>>
      tpu.enqueue_indirect_dma source(%dma_start3A_540 : memref<100000x128xf32, #tpu.memory_space<hbm>>) target(%dma_start3A_534 : memref<128x128xf32, #tpu.memory_space<vmem>>) offsets(%dma_start3A_537 : memref<128xi32, #tpu.memory_space<vmem>>) semaphore(%dma_start3A_542 : memref<!tpu.dma_semaphore, #tpu.memory_space<semaphore_mem>>)
      %dma_wait3A_543 = arith.constant 3 : i32
      %dma_wait3A_544 = arith.constant 3 : i32
      %dma_wait3A_545 = arith.constant 0 : i32
      %dma_wait3A_546 = arith.constant 0 : i32
      %dma_wait3A_547 = tpu.memref_slice %arg6[%dma_wait3A_543, %dma_wait3A_545, %dma_wait3A_546] : memref<5x128x128xf32, #tpu.memory_space<vmem>> -> memref<1x128x128xf32, #tpu.memory_space<vmem>>
      %dma_wait3A_548 = tpu.memref_squeeze %dma_wait3A_547 : memref<1x128x128xf32, #tpu.memory_space<vmem>> -> memref<128x128xf32, #tpu.memory_space<vmem>>
      %dma_wait3A_549 = arith.constant 0 : i32
      %dma_wait3A_550 = arith.constant 0 : i32
      %dma_wait3A_551 = tpu.memref_slice %arg3[%dma_wait3A_549, %dma_wait3A_550] : memref<100000x128xf32, #tpu.memory_space<hbm>> -> memref<128x128xf32, #tpu.memory_space<hbm>>
      %dma_wait3A_552 = tpu.memref_slice %arg7[%dma_wait3A_544] : memref<5x!tpu.dma_semaphore, #tpu.memory_space<semaphore_mem>> -> memref<1x!tpu.dma_semaphore, #tpu.memory_space<semaphore_mem>>
      %dma_wait3A_553 = tpu.memref_squeeze %dma_wait3A_552 : memref<1x!tpu.dma_semaphore, #tpu.memory_space<semaphore_mem>> -> memref<!tpu.dma_semaphore, #tpu.memory_space<semaphore_mem>>
      %dma_wait3A_554 = arith.constant 0 : i32
      %dma_wait3A_555 = arith.constant 0 : i32
      %dma_wait3A_556 = tpu.memref_slice %arg6[%dma_wait3A_543, %dma_wait3A_554, %dma_wait3A_555] : memref<5x128x128xf32, #tpu.memory_space<vmem>> -> memref<1x128x128xf32, #tpu.memory_space<vmem>>
      %dma_wait3A_557 = tpu.memref_squeeze %dma_wait3A_556 : memref<1x128x128xf32, #tpu.memory_space<vmem>> -> memref<128x128xf32, #tpu.memory_space<vmem>>
      %dma_wait3A_558 = arith.constant 0 : i32
      %dma_wait3A_559 = arith.constant 0 : i32
      %dma_wait3A_560 = tpu.memref_slice %arg3[%dma_wait3A_558, %dma_wait3A_559] : memref<100000x128xf32, #tpu.memory_space<hbm>> -> memref<128x128xf32, #tpu.memory_space<hbm>>
      tpu.wait_dma2 semaphore(%dma_wait3A_553 : memref<!tpu.dma_semaphore, #tpu.memory_space<semaphore_mem>>) src(%dma_wait3A_560 : memref<128x128xf32, #tpu.memory_space<hbm>>) dst(%dma_wait3A_557 : memref<128x128xf32, #tpu.memory_space<vmem>>)
      %sub3A_561 = arith.constant 4 : i32
      %sub3A_562 = arith.subi %add3A_507, %sub3A_561 : i32
      %mul3A_563 = arith.constant 128 : i32
      %mul3A_564 = arith.muli %sub3A_562, %mul3A_563 : i32
      %add3A_565 = arith.addi %mul3A_2, %mul3A_564 : i32
      %dma_start3A_566 = arith.constant 3 : i32
      %dma_start3A_567 = arith.constant 3 : i32
      %dma_start3A_568 = arith.constant 0 : i32
      %dma_start3A_569 = arith.constant 0 : i32
      %dma_start3A_570 = tpu.memref_slice %arg6[%dma_start3A_566, %dma_start3A_568, %dma_start3A_569] : memref<5x128x128xf32, #tpu.memory_space<vmem>> -> memref<1x128x128xf32, #tpu.memory_space<vmem>>
      %dma_start3A_571 = tpu.memref_squeeze %dma_start3A_570 : memref<1x128x128xf32, #tpu.memory_space<vmem>> -> memref<128x128xf32, #tpu.memory_space<vmem>>
      %dma_start3A_572 = arith.constant 0 : i32
      %dma_start3A_573 = tpu.memref_slice %arg4[%add3A_565, %dma_start3A_572] : memref<204800x128xf32, #tpu.memory_space<hbm>> -> memref<128x128xf32, #tpu.memory_space<hbm>>
      %dma_start3A_574 = tpu.memref_slice %arg8[%dma_start3A_567] : memref<5x!tpu.dma_semaphore, #tpu.memory_space<semaphore_mem>> -> memref<1x!tpu.dma_semaphore, #tpu.memory_space<semaphore_mem>>
      %dma_start3A_575 = tpu.memref_squeeze %dma_start3A_574 : memref<1x!tpu.dma_semaphore, #tpu.memory_space<semaphore_mem>> -> memref<!tpu.dma_semaphore, #tpu.memory_space<semaphore_mem>>
      %dma_start3A_576 = arith.constant 0 : i32
      %dma_start3A_577 = tpu.memref_slice %arg4[%add3A_565, %dma_start3A_576] : memref<204800x128xf32, #tpu.memory_space<hbm>> -> memref<128x128xf32, #tpu.memory_space<hbm>>
      %dma_start3A_578 = arith.constant 0 : i32
      %dma_start3A_579 = arith.constant 0 : i32
      %dma_start3A_580 = tpu.memref_slice %arg6[%dma_start3A_566, %dma_start3A_578, %dma_start3A_579] : memref<5x128x128xf32, #tpu.memory_space<vmem>> -> memref<1x128x128xf32, #tpu.memory_space<vmem>>
      %dma_start3A_581 = tpu.memref_squeeze %dma_start3A_580 : memref<1x128x128xf32, #tpu.memory_space<vmem>> -> memref<128x128xf32, #tpu.memory_space<vmem>>
      tpu.enqueue_dma source(%dma_start3A_581 : memref<128x128xf32, #tpu.memory_space<vmem>>) target(%dma_start3A_577 : memref<128x128xf32, #tpu.memory_space<hbm>>) target_semaphore(%dma_start3A_575 : memref<!tpu.dma_semaphore, #tpu.memory_space<semaphore_mem>>)
      %add3A_582 = arith.constant 3 : i32
      %add3A_583 = arith.addi %add3A_354, %add3A_582 : i32
      %sub3A_584 = arith.constant 5 : i32
      %sub3A_585 = arith.subi %add3A_583, %sub3A_584 : i32
      %mul3A_586 = arith.constant 128 : i32
      %mul3A_587 = arith.muli %sub3A_585, %mul3A_586 : i32
      %add3A_588 = arith.addi %mul3A_2, %mul3A_587 : i32
      %dma_wait3A_589 = arith.constant 3 : i32
      %dma_wait3A_590 = arith.constant 3 : i32
      %dma_wait3A_591 = arith.constant 0 : i32
      %dma_wait3A_592 = arith.constant 0 : i32
      %dma_wait3A_593 = tpu.memref_slice %arg6[%dma_wait3A_589, %dma_wait3A_591, %dma_wait3A_592] : memref<5x128x128xf32, #tpu.memory_space<vmem>> -> memref<1x128x128xf32, #tpu.memory_space<vmem>>
      %dma_wait3A_594 = tpu.memref_squeeze %dma_wait3A_593 : memref<1x128x128xf32, #tpu.memory_space<vmem>> -> memref<128x128xf32, #tpu.memory_space<vmem>>
      %dma_wait3A_595 = arith.constant 0 : i32
      %dma_wait3A_596 = tpu.memref_slice %arg4[%add3A_588, %dma_wait3A_595] : memref<204800x128xf32, #tpu.memory_space<hbm>> -> memref<128x128xf32, #tpu.memory_space<hbm>>
      %dma_wait3A_597 = tpu.memref_slice %arg8[%dma_wait3A_590] : memref<5x!tpu.dma_semaphore, #tpu.memory_space<semaphore_mem>> -> memref<1x!tpu.dma_semaphore, #tpu.memory_space<semaphore_mem>>
      %dma_wait3A_598 = tpu.memref_squeeze %dma_wait3A_597 : memref<1x!tpu.dma_semaphore, #tpu.memory_space<semaphore_mem>> -> memref<!tpu.dma_semaphore, #tpu.memory_space<semaphore_mem>>
      %dma_wait3A_599 = arith.constant 0 : i32
      %dma_wait3A_600 = tpu.memref_slice %arg4[%add3A_588, %dma_wait3A_599] : memref<204800x128xf32, #tpu.memory_space<hbm>> -> memref<128x128xf32, #tpu.memory_space<hbm>>
      %dma_wait3A_601 = arith.constant 0 : i32
      %dma_wait3A_602 = arith.constant 0 : i32
      %dma_wait3A_603 = tpu.memref_slice %arg6[%dma_wait3A_589, %dma_wait3A_601, %dma_wait3A_602] : memref<5x128x128xf32, #tpu.memory_space<vmem>> -> memref<1x128x128xf32, #tpu.memory_space<vmem>>
      %dma_wait3A_604 = tpu.memref_squeeze %dma_wait3A_603 : memref<1x128x128xf32, #tpu.memory_space<vmem>> -> memref<128x128xf32, #tpu.memory_space<vmem>>
      tpu.wait_dma2 semaphore(%dma_wait3A_598 : memref<!tpu.dma_semaphore, #tpu.memory_space<semaphore_mem>>) src(%dma_wait3A_604 : memref<128x128xf32, #tpu.memory_space<vmem>>) dst(%dma_wait3A_600 : memref<128x128xf32, #tpu.memory_space<hbm>>)
      %dma_start3A_605 = arith.constant 3 : i32
      %dma_start3A_606 = arith.constant 3 : i32
      %dma_start3A_607 = arith.constant 0 : i32
      %dma_start3A_608 = arith.constant 0 : i32
      %dma_start3A_609 = tpu.memref_slice %arg6[%dma_start3A_605, %dma_start3A_607, %dma_start3A_608] : memref<5x128x128xf32, #tpu.memory_space<vmem>> -> memref<1x128x128xf32, #tpu.memory_space<vmem>>
      %dma_start3A_610 = tpu.memref_squeeze %dma_start3A_609 : memref<1x128x128xf32, #tpu.memory_space<vmem>> -> memref<128x128xf32, #tpu.memory_space<vmem>>
      %dma_start3A_611 = arith.constant 0 : i32
      %dma_start3A_612 = tpu.memref_slice %arg5[%add3A_583, %dma_start3A_611] : memref<50x128xi32, #tpu.memory_space<vmem>> -> memref<1x128xi32, #tpu.memory_space<vmem>>
      %dma_start3A_613 = tpu.memref_squeeze %dma_start3A_612 : memref<1x128xi32, #tpu.memory_space<vmem>> -> memref<128xi32, #tpu.memory_space<vmem>>
      %dma_start3A_614 = arith.constant 0 : i32
      %dma_start3A_615 = arith.constant 0 : i32
      %dma_start3A_616 = tpu.memref_slice %arg3[%dma_start3A_614, %dma_start3A_615] : memref<100000x128xf32, #tpu.memory_space<hbm>> -> memref<100000x128xf32, #tpu.memory_space<hbm>>
      %dma_start3A_617 = tpu.memref_slice %arg7[%dma_start3A_606] : memref<5x!tpu.dma_semaphore, #tpu.memory_space<semaphore_mem>> -> memref<1x!tpu.dma_semaphore, #tpu.memory_space<semaphore_mem>>
      %dma_start3A_618 = tpu.memref_squeeze %dma_start3A_617 : memref<1x!tpu.dma_semaphore, #tpu.memory_space<semaphore_mem>> -> memref<!tpu.dma_semaphore, #tpu.memory_space<semaphore_mem>>
      tpu.enqueue_indirect_dma source(%dma_start3A_616 : memref<100000x128xf32, #tpu.memory_space<hbm>>) target(%dma_start3A_610 : memref<128x128xf32, #tpu.memory_space<vmem>>) offsets(%dma_start3A_613 : memref<128xi32, #tpu.memory_space<vmem>>) semaphore(%dma_start3A_618 : memref<!tpu.dma_semaphore, #tpu.memory_space<semaphore_mem>>)
      %dma_wait3A_619 = arith.constant 4 : i32
      %dma_wait3A_620 = arith.constant 4 : i32
      %dma_wait3A_621 = arith.constant 0 : i32
      %dma_wait3A_622 = arith.constant 0 : i32
      %dma_wait3A_623 = tpu.memref_slice %arg6[%dma_wait3A_619, %dma_wait3A_621, %dma_wait3A_622] : memref<5x128x128xf32, #tpu.memory_space<vmem>> -> memref<1x128x128xf32, #tpu.memory_space<vmem>>
      %dma_wait3A_624 = tpu.memref_squeeze %dma_wait3A_623 : memref<1x128x128xf32, #tpu.memory_space<vmem>> -> memref<128x128xf32, #tpu.memory_space<vmem>>
      %dma_wait3A_625 = arith.constant 0 : i32
      %dma_wait3A_626 = arith.constant 0 : i32
      %dma_wait3A_627 = tpu.memref_slice %arg3[%dma_wait3A_625, %dma_wait3A_626] : memref<100000x128xf32, #tpu.memory_space<hbm>> -> memref<128x128xf32, #tpu.memory_space<hbm>>
      %dma_wait3A_628 = tpu.memref_slice %arg7[%dma_wait3A_620] : memref<5x!tpu.dma_semaphore, #tpu.memory_space<semaphore_mem>> -> memref<1x!tpu.dma_semaphore, #tpu.memory_space<semaphore_mem>>
      %dma_wait3A_629 = tpu.memref_squeeze %dma_wait3A_628 : memref<1x!tpu.dma_semaphore, #tpu.memory_space<semaphore_mem>> -> memref<!tpu.dma_semaphore, #tpu.memory_space<semaphore_mem>>
      %dma_wait3A_630 = arith.constant 0 : i32
      %dma_wait3A_631 = arith.constant 0 : i32
      %dma_wait3A_632 = tpu.memref_slice %arg6[%dma_wait3A_619, %dma_wait3A_630, %dma_wait3A_631] : memref<5x128x128xf32, #tpu.memory_space<vmem>> -> memref<1x128x128xf32, #tpu.memory_space<vmem>>
      %dma_wait3A_633 = tpu.memref_squeeze %dma_wait3A_632 : memref<1x128x128xf32, #tpu.memory_space<vmem>> -> memref<128x128xf32, #tpu.memory_space<vmem>>
      %dma_wait3A_634 = arith.constant 0 : i32
      %dma_wait3A_635 = arith.constant 0 : i32
      %dma_wait3A_636 = tpu.memref_slice %arg3[%dma_wait3A_634, %dma_wait3A_635] : memref<100000x128xf32, #tpu.memory_space<hbm>> -> memref<128x128xf32, #tpu.memory_space<hbm>>
      tpu.wait_dma2 semaphore(%dma_wait3A_629 : memref<!tpu.dma_semaphore, #tpu.memory_space<semaphore_mem>>) src(%dma_wait3A_636 : memref<128x128xf32, #tpu.memory_space<hbm>>) dst(%dma_wait3A_633 : memref<128x128xf32, #tpu.memory_space<vmem>>)
      %sub3A_637 = arith.constant 4 : i32
      %sub3A_638 = arith.subi %add3A_583, %sub3A_637 : i32
      %mul3A_639 = arith.constant 128 : i32
      %mul3A_640 = arith.muli %sub3A_638, %mul3A_639 : i32
      %add3A_641 = arith.addi %mul3A_2, %mul3A_640 : i32
      %dma_start3A_642 = arith.constant 4 : i32
      %dma_start3A_643 = arith.constant 4 : i32
      %dma_start3A_644 = arith.constant 0 : i32
      %dma_start3A_645 = arith.constant 0 : i32
      %dma_start3A_646 = tpu.memref_slice %arg6[%dma_start3A_642, %dma_start3A_644, %dma_start3A_645] : memref<5x128x128xf32, #tpu.memory_space<vmem>> -> memref<1x128x128xf32, #tpu.memory_space<vmem>>
      %dma_start3A_647 = tpu.memref_squeeze %dma_start3A_646 : memref<1x128x128xf32, #tpu.memory_space<vmem>> -> memref<128x128xf32, #tpu.memory_space<vmem>>
      %dma_start3A_648 = arith.constant 0 : i32
      %dma_start3A_649 = tpu.memref_slice %arg4[%add3A_641, %dma_start3A_648] : memref<204800x128xf32, #tpu.memory_space<hbm>> -> memref<128x128xf32, #tpu.memory_space<hbm>>
      %dma_start3A_650 = tpu.memref_slice %arg8[%dma_start3A_643] : memref<5x!tpu.dma_semaphore, #tpu.memory_space<semaphore_mem>> -> memref<1x!tpu.dma_semaphore, #tpu.memory_space<semaphore_mem>>
      %dma_start3A_651 = tpu.memref_squeeze %dma_start3A_650 : memref<1x!tpu.dma_semaphore, #tpu.memory_space<semaphore_mem>> -> memref<!tpu.dma_semaphore, #tpu.memory_space<semaphore_mem>>
      %dma_start3A_652 = arith.constant 0 : i32
      %dma_start3A_653 = tpu.memref_slice %arg4[%add3A_641, %dma_start3A_652] : memref<204800x128xf32, #tpu.memory_space<hbm>> -> memref<128x128xf32, #tpu.memory_space<hbm>>
      %dma_start3A_654 = arith.constant 0 : i32
      %dma_start3A_655 = arith.constant 0 : i32
      %dma_start3A_656 = tpu.memref_slice %arg6[%dma_start3A_642, %dma_start3A_654, %dma_start3A_655] : memref<5x128x128xf32, #tpu.memory_space<vmem>> -> memref<1x128x128xf32, #tpu.memory_space<vmem>>
      %dma_start3A_657 = tpu.memref_squeeze %dma_start3A_656 : memref<1x128x128xf32, #tpu.memory_space<vmem>> -> memref<128x128xf32, #tpu.memory_space<vmem>>
      tpu.enqueue_dma source(%dma_start3A_657 : memref<128x128xf32, #tpu.memory_space<vmem>>) target(%dma_start3A_653 : memref<128x128xf32, #tpu.memory_space<hbm>>) target_semaphore(%dma_start3A_651 : memref<!tpu.dma_semaphore, #tpu.memory_space<semaphore_mem>>)
      %add3A_658 = arith.constant 4 : i32
      %add3A_659 = arith.addi %add3A_354, %add3A_658 : i32
      %sub3A_660 = arith.constant 5 : i32
      %sub3A_661 = arith.subi %add3A_659, %sub3A_660 : i32
      %mul3A_662 = arith.constant 128 : i32
      %mul3A_663 = arith.muli %sub3A_661, %mul3A_662 : i32
      %add3A_664 = arith.addi %mul3A_2, %mul3A_663 : i32
      %dma_wait3A_665 = arith.constant 4 : i32
      %dma_wait3A_666 = arith.constant 4 : i32
      %dma_wait3A_667 = arith.constant 0 : i32
      %dma_wait3A_668 = arith.constant 0 : i32
      %dma_wait3A_669 = tpu.memref_slice %arg6[%dma_wait3A_665, %dma_wait3A_667, %dma_wait3A_668] : memref<5x128x128xf32, #tpu.memory_space<vmem>> -> memref<1x128x128xf32, #tpu.memory_space<vmem>>
      %dma_wait3A_670 = tpu.memref_squeeze %dma_wait3A_669 : memref<1x128x128xf32, #tpu.memory_space<vmem>> -> memref<128x128xf32, #tpu.memory_space<vmem>>
      %dma_wait3A_671 = arith.constant 0 : i32
      %dma_wait3A_672 = tpu.memref_slice %arg4[%add3A_664, %dma_wait3A_671] : memref<204800x128xf32, #tpu.memory_space<hbm>> -> memref<128x128xf32, #tpu.memory_space<hbm>>
      %dma_wait3A_673 = tpu.memref_slice %arg8[%dma_wait3A_666] : memref<5x!tpu.dma_semaphore, #tpu.memory_space<semaphore_mem>> -> memref<1x!tpu.dma_semaphore, #tpu.memory_space<semaphore_mem>>
      %dma_wait3A_674 = tpu.memref_squeeze %dma_wait3A_673 : memref<1x!tpu.dma_semaphore, #tpu.memory_space<semaphore_mem>> -> memref<!tpu.dma_semaphore, #tpu.memory_space<semaphore_mem>>
      %dma_wait3A_675 = arith.constant 0 : i32
      %dma_wait3A_676 = tpu.memref_slice %arg4[%add3A_664, %dma_wait3A_675] : memref<204800x128xf32, #tpu.memory_space<hbm>> -> memref<128x128xf32, #tpu.memory_space<hbm>>
      %dma_wait3A_677 = arith.constant 0 : i32
      %dma_wait3A_678 = arith.constant 0 : i32
      %dma_wait3A_679 = tpu.memref_slice %arg6[%dma_wait3A_665, %dma_wait3A_677, %dma_wait3A_678] : memref<5x128x128xf32, #tpu.memory_space<vmem>> -> memref<1x128x128xf32, #tpu.memory_space<vmem>>
      %dma_wait3A_680 = tpu.memref_squeeze %dma_wait3A_679 : memref<1x128x128xf32, #tpu.memory_space<vmem>> -> memref<128x128xf32, #tpu.memory_space<vmem>>
      tpu.wait_dma2 semaphore(%dma_wait3A_674 : memref<!tpu.dma_semaphore, #tpu.memory_space<semaphore_mem>>) src(%dma_wait3A_680 : memref<128x128xf32, #tpu.memory_space<vmem>>) dst(%dma_wait3A_676 : memref<128x128xf32, #tpu.memory_space<hbm>>)
      %dma_start3A_681 = arith.constant 4 : i32
      %dma_start3A_682 = arith.constant 4 : i32
      %dma_start3A_683 = arith.constant 0 : i32
      %dma_start3A_684 = arith.constant 0 : i32
      %dma_start3A_685 = tpu.memref_slice %arg6[%dma_start3A_681, %dma_start3A_683, %dma_start3A_684] : memref<5x128x128xf32, #tpu.memory_space<vmem>> -> memref<1x128x128xf32, #tpu.memory_space<vmem>>
      %dma_start3A_686 = tpu.memref_squeeze %dma_start3A_685 : memref<1x128x128xf32, #tpu.memory_space<vmem>> -> memref<128x128xf32, #tpu.memory_space<vmem>>
      %dma_start3A_687 = arith.constant 0 : i32
      %dma_start3A_688 = tpu.memref_slice %arg5[%add3A_659, %dma_start3A_687] : memref<50x128xi32, #tpu.memory_space<vmem>> -> memref<1x128xi32, #tpu.memory_space<vmem>>
      %dma_start3A_689 = tpu.memref_squeeze %dma_start3A_688 : memref<1x128xi32, #tpu.memory_space<vmem>> -> memref<128xi32, #tpu.memory_space<vmem>>
      %dma_start3A_690 = arith.constant 0 : i32
      %dma_start3A_691 = arith.constant 0 : i32
      %dma_start3A_692 = tpu.memref_slice %arg3[%dma_start3A_690, %dma_start3A_691] : memref<100000x128xf32, #tpu.memory_space<hbm>> -> memref<100000x128xf32, #tpu.memory_space<hbm>>
      %dma_start3A_693 = tpu.memref_slice %arg7[%dma_start3A_682] : memref<5x!tpu.dma_semaphore, #tpu.memory_space<semaphore_mem>> -> memref<1x!tpu.dma_semaphore, #tpu.memory_space<semaphore_mem>>
      %dma_start3A_694 = tpu.memref_squeeze %dma_start3A_693 : memref<1x!tpu.dma_semaphore, #tpu.memory_space<semaphore_mem>> -> memref<!tpu.dma_semaphore, #tpu.memory_space<semaphore_mem>>
      tpu.enqueue_indirect_dma source(%dma_start3A_692 : memref<100000x128xf32, #tpu.memory_space<hbm>>) target(%dma_start3A_686 : memref<128x128xf32, #tpu.memory_space<vmem>>) offsets(%dma_start3A_689 : memref<128xi32, #tpu.memory_space<vmem>>) semaphore(%dma_start3A_694 : memref<!tpu.dma_semaphore, #tpu.memory_space<semaphore_mem>>)
      %dma_wait3A_695 = arith.constant 0 : i32
      %dma_wait3A_696 = arith.constant 0 : i32
      %dma_wait3A_697 = arith.constant 0 : i32
      %dma_wait3A_698 = arith.constant 0 : i32
      %dma_wait3A_699 = tpu.memref_slice %arg6[%dma_wait3A_695, %dma_wait3A_697, %dma_wait3A_698] : memref<5x128x128xf32, #tpu.memory_space<vmem>> -> memref<1x128x128xf32, #tpu.memory_space<vmem>>
      %dma_wait3A_700 = tpu.memref_squeeze %dma_wait3A_699 : memref<1x128x128xf32, #tpu.memory_space<vmem>> -> memref<128x128xf32, #tpu.memory_space<vmem>>
      %dma_wait3A_701 = arith.constant 0 : i32
      %dma_wait3A_702 = arith.constant 0 : i32
      %dma_wait3A_703 = tpu.memref_slice %arg3[%dma_wait3A_701, %dma_wait3A_702] : memref<100000x128xf32, #tpu.memory_space<hbm>> -> memref<128x128xf32, #tpu.memory_space<hbm>>
      %dma_wait3A_704 = tpu.memref_slice %arg7[%dma_wait3A_696] : memref<5x!tpu.dma_semaphore, #tpu.memory_space<semaphore_mem>> -> memref<1x!tpu.dma_semaphore, #tpu.memory_space<semaphore_mem>>
      %dma_wait3A_705 = tpu.memref_squeeze %dma_wait3A_704 : memref<1x!tpu.dma_semaphore, #tpu.memory_space<semaphore_mem>> -> memref<!tpu.dma_semaphore, #tpu.memory_space<semaphore_mem>>
      %dma_wait3A_706 = arith.constant 0 : i32
      %dma_wait3A_707 = arith.constant 0 : i32
      %dma_wait3A_708 = tpu.memref_slice %arg6[%dma_wait3A_695, %dma_wait3A_706, %dma_wait3A_707] : memref<5x128x128xf32, #tpu.memory_space<vmem>> -> memref<1x128x128xf32, #tpu.memory_space<vmem>>
      %dma_wait3A_709 = tpu.memref_squeeze %dma_wait3A_708 : memref<1x128x128xf32, #tpu.memory_space<vmem>> -> memref<128x128xf32, #tpu.memory_space<vmem>>
      %dma_wait3A_710 = arith.constant 0 : i32
      %dma_wait3A_711 = arith.constant 0 : i32
      %dma_wait3A_712 = tpu.memref_slice %arg3[%dma_wait3A_710, %dma_wait3A_711] : memref<100000x128xf32, #tpu.memory_space<hbm>> -> memref<128x128xf32, #tpu.memory_space<hbm>>
      tpu.wait_dma2 semaphore(%dma_wait3A_705 : memref<!tpu.dma_semaphore, #tpu.memory_space<semaphore_mem>>) src(%dma_wait3A_712 : memref<128x128xf32, #tpu.memory_space<hbm>>) dst(%dma_wait3A_709 : memref<128x128xf32, #tpu.memory_space<vmem>>)
      %sub3A_713 = arith.constant 4 : i32
      %sub3A_714 = arith.subi %add3A_659, %sub3A_713 : i32
      %mul3A_715 = arith.constant 128 : i32
      %mul3A_716 = arith.muli %sub3A_714, %mul3A_715 : i32
      %add3A_717 = arith.addi %mul3A_2, %mul3A_716 : i32
      %dma_start3A_718 = arith.constant 0 : i32
      %dma_start3A_719 = arith.constant 0 : i32
      %dma_start3A_720 = arith.constant 0 : i32
      %dma_start3A_721 = arith.constant 0 : i32
      %dma_start3A_722 = tpu.memref_slice %arg6[%dma_start3A_718, %dma_start3A_720, %dma_start3A_721] : memref<5x128x128xf32, #tpu.memory_space<vmem>> -> memref<1x128x128xf32, #tpu.memory_space<vmem>>
      %dma_start3A_723 = tpu.memref_squeeze %dma_start3A_722 : memref<1x128x128xf32, #tpu.memory_space<vmem>> -> memref<128x128xf32, #tpu.memory_space<vmem>>
      %dma_start3A_724 = arith.constant 0 : i32
      %dma_start3A_725 = tpu.memref_slice %arg4[%add3A_717, %dma_start3A_724] : memref<204800x128xf32, #tpu.memory_space<hbm>> -> memref<128x128xf32, #tpu.memory_space<hbm>>
      %dma_start3A_726 = tpu.memref_slice %arg8[%dma_start3A_719] : memref<5x!tpu.dma_semaphore, #tpu.memory_space<semaphore_mem>> -> memref<1x!tpu.dma_semaphore, #tpu.memory_space<semaphore_mem>>
      %dma_start3A_727 = tpu.memref_squeeze %dma_start3A_726 : memref<1x!tpu.dma_semaphore, #tpu.memory_space<semaphore_mem>> -> memref<!tpu.dma_semaphore, #tpu.memory_space<semaphore_mem>>
      %dma_start3A_728 = arith.constant 0 : i32
      %dma_start3A_729 = tpu.memref_slice %arg4[%add3A_717, %dma_start3A_728] : memref<204800x128xf32, #tpu.memory_space<hbm>> -> memref<128x128xf32, #tpu.memory_space<hbm>>
      %dma_start3A_730 = arith.constant 0 : i32
      %dma_start3A_731 = arith.constant 0 : i32
      %dma_start3A_732 = tpu.memref_slice %arg6[%dma_start3A_718, %dma_start3A_730, %dma_start3A_731] : memref<5x128x128xf32, #tpu.memory_space<vmem>> -> memref<1x128x128xf32, #tpu.memory_space<vmem>>
      %dma_start3A_733 = tpu.memref_squeeze %dma_start3A_732 : memref<1x128x128xf32, #tpu.memory_space<vmem>> -> memref<128x128xf32, #tpu.memory_space<vmem>>
      tpu.enqueue_dma source(%dma_start3A_733 : memref<128x128xf32, #tpu.memory_space<vmem>>) target(%dma_start3A_729 : memref<128x128xf32, #tpu.memory_space<hbm>>) target_semaphore(%dma_start3A_727 : memref<!tpu.dma_semaphore, #tpu.memory_space<semaphore_mem>>)
    }
    %scan3A_115 = arith.constant 9 : i32
    %add3A_116 = arith.constant 5760 : i32
    %add3A_117 = arith.addi %mul3A_2, %add3A_116 : i32
    %dma_wait3A_118 = arith.constant 0 : i32
    %dma_wait3A_119 = arith.constant 0 : i32
    %dma_wait3A_120 = arith.constant 0 : i32
    %dma_wait3A_121 = arith.constant 0 : i32
    %dma_wait3A_122 = tpu.memref_slice %arg6[%dma_wait3A_118, %dma_wait3A_120, %dma_wait3A_121] : memref<5x128x128xf32, #tpu.memory_space<vmem>> -> memref<1x128x128xf32, #tpu.memory_space<vmem>>
    %dma_wait3A_123 = tpu.memref_squeeze %dma_wait3A_122 : memref<1x128x128xf32, #tpu.memory_space<vmem>> -> memref<128x128xf32, #tpu.memory_space<vmem>>
    %dma_wait3A_124 = arith.constant 0 : i32
    %dma_wait3A_125 = tpu.memref_slice %arg4[%add3A_117, %dma_wait3A_124] : memref<204800x128xf32, #tpu.memory_space<hbm>> -> memref<128x128xf32, #tpu.memory_space<hbm>>
    %dma_wait3A_126 = tpu.memref_slice %arg8[%dma_wait3A_119] : memref<5x!tpu.dma_semaphore, #tpu.memory_space<semaphore_mem>> -> memref<1x!tpu.dma_semaphore, #tpu.memory_space<semaphore_mem>>
    %dma_wait3A_127 = tpu.memref_squeeze %dma_wait3A_126 : memref<1x!tpu.dma_semaphore, #tpu.memory_space<semaphore_mem>> -> memref<!tpu.dma_semaphore, #tpu.memory_space<semaphore_mem>>
    %dma_wait3A_128 = arith.constant 0 : i32
    %dma_wait3A_129 = tpu.memref_slice %arg4[%add3A_117, %dma_wait3A_128] : memref<204800x128xf32, #tpu.memory_space<hbm>> -> memref<128x128xf32, #tpu.memory_space<hbm>>
    %dma_wait3A_130 = arith.constant 0 : i32
    %dma_wait3A_131 = arith.constant 0 : i32
    %dma_wait3A_132 = tpu.memref_slice %arg6[%dma_wait3A_118, %dma_wait3A_130, %dma_wait3A_131] : memref<5x128x128xf32, #tpu.memory_space<vmem>> -> memref<1x128x128xf32, #tpu.memory_space<vmem>>
    %dma_wait3A_133 = tpu.memref_squeeze %dma_wait3A_132 : memref<1x128x128xf32, #tpu.memory_space<vmem>> -> memref<128x128xf32, #tpu.memory_space<vmem>>
    tpu.wait_dma2 semaphore(%dma_wait3A_127 : memref<!tpu.dma_semaphore, #tpu.memory_space<semaphore_mem>>) src(%dma_wait3A_133 : memref<128x128xf32, #tpu.memory_space<vmem>>) dst(%dma_wait3A_129 : memref<128x128xf32, #tpu.memory_space<hbm>>)
    %dma_wait3A_134 = arith.constant 1 : i32
    %dma_wait3A_135 = arith.constant 1 : i32
    %dma_wait3A_136 = arith.constant 0 : i32
    %dma_wait3A_137 = arith.constant 0 : i32
    %dma_wait3A_138 = tpu.memref_slice %arg6[%dma_wait3A_134, %dma_wait3A_136, %dma_wait3A_137] : memref<5x128x128xf32, #tpu.memory_space<vmem>> -> memref<1x128x128xf32, #tpu.memory_space<vmem>>
    %dma_wait3A_139 = tpu.memref_squeeze %dma_wait3A_138 : memref<1x128x128xf32, #tpu.memory_space<vmem>> -> memref<128x128xf32, #tpu.memory_space<vmem>>
    %dma_wait3A_140 = arith.constant 0 : i32
    %dma_wait3A_141 = arith.constant 0 : i32
    %dma_wait3A_142 = tpu.memref_slice %arg3[%dma_wait3A_140, %dma_wait3A_141] : memref<100000x128xf32, #tpu.memory_space<hbm>> -> memref<128x128xf32, #tpu.memory_space<hbm>>
    %dma_wait3A_143 = tpu.memref_slice %arg7[%dma_wait3A_135] : memref<5x!tpu.dma_semaphore, #tpu.memory_space<semaphore_mem>> -> memref<1x!tpu.dma_semaphore, #tpu.memory_space<semaphore_mem>>
    %dma_wait3A_144 = tpu.memref_squeeze %dma_wait3A_143 : memref<1x!tpu.dma_semaphore, #tpu.memory_space<semaphore_mem>> -> memref<!tpu.dma_semaphore, #tpu.memory_space<semaphore_mem>>
    %dma_wait3A_145 = arith.constant 0 : i32
    %dma_wait3A_146 = arith.constant 0 : i32
    %dma_wait3A_147 = tpu.memref_slice %arg6[%dma_wait3A_134, %dma_wait3A_145, %dma_wait3A_146] : memref<5x128x128xf32, #tpu.memory_space<vmem>> -> memref<1x128x128xf32, #tpu.memory_space<vmem>>
    %dma_wait3A_148 = tpu.memref_squeeze %dma_wait3A_147 : memref<1x128x128xf32, #tpu.memory_space<vmem>> -> memref<128x128xf32, #tpu.memory_space<vmem>>
    %dma_wait3A_149 = arith.constant 0 : i32
    %dma_wait3A_150 = arith.constant 0 : i32
    %dma_wait3A_151 = tpu.memref_slice %arg3[%dma_wait3A_149, %dma_wait3A_150] : memref<100000x128xf32, #tpu.memory_space<hbm>> -> memref<128x128xf32, #tpu.memory_space<hbm>>
    tpu.wait_dma2 semaphore(%dma_wait3A_144 : memref<!tpu.dma_semaphore, #tpu.memory_space<semaphore_mem>>) src(%dma_wait3A_151 : memref<128x128xf32, #tpu.memory_space<hbm>>) dst(%dma_wait3A_148 : memref<128x128xf32, #tpu.memory_space<vmem>>)
    %add3A_152 = arith.constant 5888 : i32
    %add3A_153 = arith.addi %mul3A_2, %add3A_152 : i32
    %dma_start3A_154 = arith.constant 1 : i32
    %dma_start3A_155 = arith.constant 1 : i32
    %dma_start3A_156 = arith.constant 0 : i32
    %dma_start3A_157 = arith.constant 0 : i32
    %dma_start3A_158 = tpu.memref_slice %arg6[%dma_start3A_154, %dma_start3A_156, %dma_start3A_157] : memref<5x128x128xf32, #tpu.memory_space<vmem>> -> memref<1x128x128xf32, #tpu.memory_space<vmem>>
    %dma_start3A_159 = tpu.memref_squeeze %dma_start3A_158 : memref<1x128x128xf32, #tpu.memory_space<vmem>> -> memref<128x128xf32, #tpu.memory_space<vmem>>
    %dma_start3A_160 = arith.constant 0 : i32
    %dma_start3A_161 = tpu.memref_slice %arg4[%add3A_153, %dma_start3A_160] : memref<204800x128xf32, #tpu.memory_space<hbm>> -> memref<128x128xf32, #tpu.memory_space<hbm>>
    %dma_start3A_162 = tpu.memref_slice %arg8[%dma_start3A_155] : memref<5x!tpu.dma_semaphore, #tpu.memory_space<semaphore_mem>> -> memref<1x!tpu.dma_semaphore, #tpu.memory_space<semaphore_mem>>
    %dma_start3A_163 = tpu.memref_squeeze %dma_start3A_162 : memref<1x!tpu.dma_semaphore, #tpu.memory_space<semaphore_mem>> -> memref<!tpu.dma_semaphore, #tpu.memory_space<semaphore_mem>>
    %dma_start3A_164 = arith.constant 0 : i32
    %dma_start3A_165 = tpu.memref_slice %arg4[%add3A_153, %dma_start3A_164] : memref<204800x128xf32, #tpu.memory_space<hbm>> -> memref<128x128xf32, #tpu.memory_space<hbm>>
    %dma_start3A_166 = arith.constant 0 : i32
    %dma_start3A_167 = arith.constant 0 : i32
    %dma_start3A_168 = tpu.memref_slice %arg6[%dma_start3A_154, %dma_start3A_166, %dma_start3A_167] : memref<5x128x128xf32, #tpu.memory_space<vmem>> -> memref<1x128x128xf32, #tpu.memory_space<vmem>>
    %dma_start3A_169 = tpu.memref_squeeze %dma_start3A_168 : memref<1x128x128xf32, #tpu.memory_space<vmem>> -> memref<128x128xf32, #tpu.memory_space<vmem>>
    tpu.enqueue_dma source(%dma_start3A_169 : memref<128x128xf32, #tpu.memory_space<vmem>>) target(%dma_start3A_165 : memref<128x128xf32, #tpu.memory_space<hbm>>) target_semaphore(%dma_start3A_163 : memref<!tpu.dma_semaphore, #tpu.memory_space<semaphore_mem>>)
    %add3A_170 = arith.constant 5888 : i32
    %add3A_171 = arith.addi %mul3A_2, %add3A_170 : i32
    %dma_wait3A_172 = arith.constant 1 : i32
    %dma_wait3A_173 = arith.constant 1 : i32
    %dma_wait3A_174 = arith.constant 0 : i32
    %dma_wait3A_175 = arith.constant 0 : i32
    %dma_wait3A_176 = tpu.memref_slice %arg6[%dma_wait3A_172, %dma_wait3A_174, %dma_wait3A_175] : memref<5x128x128xf32, #tpu.memory_space<vmem>> -> memref<1x128x128xf32, #tpu.memory_space<vmem>>
    %dma_wait3A_177 = tpu.memref_squeeze %dma_wait3A_176 : memref<1x128x128xf32, #tpu.memory_space<vmem>> -> memref<128x128xf32, #tpu.memory_space<vmem>>
    %dma_wait3A_178 = arith.constant 0 : i32
    %dma_wait3A_179 = tpu.memref_slice %arg4[%add3A_171, %dma_wait3A_178] : memref<204800x128xf32, #tpu.memory_space<hbm>> -> memref<128x128xf32, #tpu.memory_space<hbm>>
    %dma_wait3A_180 = tpu.memref_slice %arg8[%dma_wait3A_173] : memref<5x!tpu.dma_semaphore, #tpu.memory_space<semaphore_mem>> -> memref<1x!tpu.dma_semaphore, #tpu.memory_space<semaphore_mem>>
    %dma_wait3A_181 = tpu.memref_squeeze %dma_wait3A_180 : memref<1x!tpu.dma_semaphore, #tpu.memory_space<semaphore_mem>> -> memref<!tpu.dma_semaphore, #tpu.memory_space<semaphore_mem>>
    %dma_wait3A_182 = arith.constant 0 : i32
    %dma_wait3A_183 = tpu.memref_slice %arg4[%add3A_171, %dma_wait3A_182] : memref<204800x128xf32, #tpu.memory_space<hbm>> -> memref<128x128xf32, #tpu.memory_space<hbm>>
    %dma_wait3A_184 = arith.constant 0 : i32
    %dma_wait3A_185 = arith.constant 0 : i32
    %dma_wait3A_186 = tpu.memref_slice %arg6[%dma_wait3A_172, %dma_wait3A_184, %dma_wait3A_185] : memref<5x128x128xf32, #tpu.memory_space<vmem>> -> memref<1x128x128xf32, #tpu.memory_space<vmem>>
    %dma_wait3A_187 = tpu.memref_squeeze %dma_wait3A_186 : memref<1x128x128xf32, #tpu.memory_space<vmem>> -> memref<128x128xf32, #tpu.memory_space<vmem>>
    tpu.wait_dma2 semaphore(%dma_wait3A_181 : memref<!tpu.dma_semaphore, #tpu.memory_space<semaphore_mem>>) src(%dma_wait3A_187 : memref<128x128xf32, #tpu.memory_space<vmem>>) dst(%dma_wait3A_183 : memref<128x128xf32, #tpu.memory_space<hbm>>)
    %dma_wait3A_188 = arith.constant 2 : i32
    %dma_wait3A_189 = arith.constant 2 : i32
    %dma_wait3A_190 = arith.constant 0 : i32
    %dma_wait3A_191 = arith.constant 0 : i32
    %dma_wait3A_192 = tpu.memref_slice %arg6[%dma_wait3A_188, %dma_wait3A_190, %dma_wait3A_191] : memref<5x128x128xf32, #tpu.memory_space<vmem>> -> memref<1x128x128xf32, #tpu.memory_space<vmem>>
    %dma_wait3A_193 = tpu.memref_squeeze %dma_wait3A_192 : memref<1x128x128xf32, #tpu.memory_space<vmem>> -> memref<128x128xf32, #tpu.memory_space<vmem>>
    %dma_wait3A_194 = arith.constant 0 : i32
    %dma_wait3A_195 = arith.constant 0 : i32
    %dma_wait3A_196 = tpu.memref_slice %arg3[%dma_wait3A_194, %dma_wait3A_195] : memref<100000x128xf32, #tpu.memory_space<hbm>> -> memref<128x128xf32, #tpu.memory_space<hbm>>
    %dma_wait3A_197 = tpu.memref_slice %arg7[%dma_wait3A_189] : memref<5x!tpu.dma_semaphore, #tpu.memory_space<semaphore_mem>> -> memref<1x!tpu.dma_semaphore, #tpu.memory_space<semaphore_mem>>
    %dma_wait3A_198 = tpu.memref_squeeze %dma_wait3A_197 : memref<1x!tpu.dma_semaphore, #tpu.memory_space<semaphore_mem>> -> memref<!tpu.dma_semaphore, #tpu.memory_space<semaphore_mem>>
    %dma_wait3A_199 = arith.constant 0 : i32
    %dma_wait3A_200 = arith.constant 0 : i32
    %dma_wait3A_201 = tpu.memref_slice %arg6[%dma_wait3A_188, %dma_wait3A_199, %dma_wait3A_200] : memref<5x128x128xf32, #tpu.memory_space<vmem>> -> memref<1x128x128xf32, #tpu.memory_space<vmem>>
    %dma_wait3A_202 = tpu.memref_squeeze %dma_wait3A_201 : memref<1x128x128xf32, #tpu.memory_space<vmem>> -> memref<128x128xf32, #tpu.memory_space<vmem>>
    %dma_wait3A_203 = arith.constant 0 : i32
    %dma_wait3A_204 = arith.constant 0 : i32
    %dma_wait3A_205 = tpu.memref_slice %arg3[%dma_wait3A_203, %dma_wait3A_204] : memref<100000x128xf32, #tpu.memory_space<hbm>> -> memref<128x128xf32, #tpu.memory_space<hbm>>
    tpu.wait_dma2 semaphore(%dma_wait3A_198 : memref<!tpu.dma_semaphore, #tpu.memory_space<semaphore_mem>>) src(%dma_wait3A_205 : memref<128x128xf32, #tpu.memory_space<hbm>>) dst(%dma_wait3A_202 : memref<128x128xf32, #tpu.memory_space<vmem>>)
    %add3A_206 = arith.constant 6016 : i32
    %add3A_207 = arith.addi %mul3A_2, %add3A_206 : i32
    %dma_start3A_208 = arith.constant 2 : i32
    %dma_start3A_209 = arith.constant 2 : i32
    %dma_start3A_210 = arith.constant 0 : i32
    %dma_start3A_211 = arith.constant 0 : i32
    %dma_start3A_212 = tpu.memref_slice %arg6[%dma_start3A_208, %dma_start3A_210, %dma_start3A_211] : memref<5x128x128xf32, #tpu.memory_space<vmem>> -> memref<1x128x128xf32, #tpu.memory_space<vmem>>
    %dma_start3A_213 = tpu.memref_squeeze %dma_start3A_212 : memref<1x128x128xf32, #tpu.memory_space<vmem>> -> memref<128x128xf32, #tpu.memory_space<vmem>>
    %dma_start3A_214 = arith.constant 0 : i32
    %dma_start3A_215 = tpu.memref_slice %arg4[%add3A_207, %dma_start3A_214] : memref<204800x128xf32, #tpu.memory_space<hbm>> -> memref<128x128xf32, #tpu.memory_space<hbm>>
    %dma_start3A_216 = tpu.memref_slice %arg8[%dma_start3A_209] : memref<5x!tpu.dma_semaphore, #tpu.memory_space<semaphore_mem>> -> memref<1x!tpu.dma_semaphore, #tpu.memory_space<semaphore_mem>>
    %dma_start3A_217 = tpu.memref_squeeze %dma_start3A_216 : memref<1x!tpu.dma_semaphore, #tpu.memory_space<semaphore_mem>> -> memref<!tpu.dma_semaphore, #tpu.memory_space<semaphore_mem>>
    %dma_start3A_218 = arith.constant 0 : i32
    %dma_start3A_219 = tpu.memref_slice %arg4[%add3A_207, %dma_start3A_218] : memref<204800x128xf32, #tpu.memory_space<hbm>> -> memref<128x128xf32, #tpu.memory_space<hbm>>
    %dma_start3A_220 = arith.constant 0 : i32
    %dma_start3A_221 = arith.constant 0 : i32
    %dma_start3A_222 = tpu.memref_slice %arg6[%dma_start3A_208, %dma_start3A_220, %dma_start3A_221] : memref<5x128x128xf32, #tpu.memory_space<vmem>> -> memref<1x128x128xf32, #tpu.memory_space<vmem>>
    %dma_start3A_223 = tpu.memref_squeeze %dma_start3A_222 : memref<1x128x128xf32, #tpu.memory_space<vmem>> -> memref<128x128xf32, #tpu.memory_space<vmem>>
    tpu.enqueue_dma source(%dma_start3A_223 : memref<128x128xf32, #tpu.memory_space<vmem>>) target(%dma_start3A_219 : memref<128x128xf32, #tpu.memory_space<hbm>>) target_semaphore(%dma_start3A_217 : memref<!tpu.dma_semaphore, #tpu.memory_space<semaphore_mem>>)
    %add3A_224 = arith.constant 6016 : i32
    %add3A_225 = arith.addi %mul3A_2, %add3A_224 : i32
    %dma_wait3A_226 = arith.constant 2 : i32
    %dma_wait3A_227 = arith.constant 2 : i32
    %dma_wait3A_228 = arith.constant 0 : i32
    %dma_wait3A_229 = arith.constant 0 : i32
    %dma_wait3A_230 = tpu.memref_slice %arg6[%dma_wait3A_226, %dma_wait3A_228, %dma_wait3A_229] : memref<5x128x128xf32, #tpu.memory_space<vmem>> -> memref<1x128x128xf32, #tpu.memory_space<vmem>>
    %dma_wait3A_231 = tpu.memref_squeeze %dma_wait3A_230 : memref<1x128x128xf32, #tpu.memory_space<vmem>> -> memref<128x128xf32, #tpu.memory_space<vmem>>
    %dma_wait3A_232 = arith.constant 0 : i32
    %dma_wait3A_233 = tpu.memref_slice %arg4[%add3A_225, %dma_wait3A_232] : memref<204800x128xf32, #tpu.memory_space<hbm>> -> memref<128x128xf32, #tpu.memory_space<hbm>>
    %dma_wait3A_234 = tpu.memref_slice %arg8[%dma_wait3A_227] : memref<5x!tpu.dma_semaphore, #tpu.memory_space<semaphore_mem>> -> memref<1x!tpu.dma_semaphore, #tpu.memory_space<semaphore_mem>>
    %dma_wait3A_235 = tpu.memref_squeeze %dma_wait3A_234 : memref<1x!tpu.dma_semaphore, #tpu.memory_space<semaphore_mem>> -> memref<!tpu.dma_semaphore, #tpu.memory_space<semaphore_mem>>
    %dma_wait3A_236 = arith.constant 0 : i32
    %dma_wait3A_237 = tpu.memref_slice %arg4[%add3A_225, %dma_wait3A_236] : memref<204800x128xf32, #tpu.memory_space<hbm>> -> memref<128x128xf32, #tpu.memory_space<hbm>>
    %dma_wait3A_238 = arith.constant 0 : i32
    %dma_wait3A_239 = arith.constant 0 : i32
    %dma_wait3A_240 = tpu.memref_slice %arg6[%dma_wait3A_226, %dma_wait3A_238, %dma_wait3A_239] : memref<5x128x128xf32, #tpu.memory_space<vmem>> -> memref<1x128x128xf32, #tpu.memory_space<vmem>>
    %dma_wait3A_241 = tpu.memref_squeeze %dma_wait3A_240 : memref<1x128x128xf32, #tpu.memory_space<vmem>> -> memref<128x128xf32, #tpu.memory_space<vmem>>
    tpu.wait_dma2 semaphore(%dma_wait3A_235 : memref<!tpu.dma_semaphore, #tpu.memory_space<semaphore_mem>>) src(%dma_wait3A_241 : memref<128x128xf32, #tpu.memory_space<vmem>>) dst(%dma_wait3A_237 : memref<128x128xf32, #tpu.memory_space<hbm>>)
    %dma_wait3A_242 = arith.constant 3 : i32
    %dma_wait3A_243 = arith.constant 3 : i32
    %dma_wait3A_244 = arith.constant 0 : i32
    %dma_wait3A_245 = arith.constant 0 : i32
    %dma_wait3A_246 = tpu.memref_slice %arg6[%dma_wait3A_242, %dma_wait3A_244, %dma_wait3A_245] : memref<5x128x128xf32, #tpu.memory_space<vmem>> -> memref<1x128x128xf32, #tpu.memory_space<vmem>>
    %dma_wait3A_247 = tpu.memref_squeeze %dma_wait3A_246 : memref<1x128x128xf32, #tpu.memory_space<vmem>> -> memref<128x128xf32, #tpu.memory_space<vmem>>
    %dma_wait3A_248 = arith.constant 0 : i32
    %dma_wait3A_249 = arith.constant 0 : i32
    %dma_wait3A_250 = tpu.memref_slice %arg3[%dma_wait3A_248, %dma_wait3A_249] : memref<100000x128xf32, #tpu.memory_space<hbm>> -> memref<128x128xf32, #tpu.memory_space<hbm>>
    %dma_wait3A_251 = tpu.memref_slice %arg7[%dma_wait3A_243] : memref<5x!tpu.dma_semaphore, #tpu.memory_space<semaphore_mem>> -> memref<1x!tpu.dma_semaphore, #tpu.memory_space<semaphore_mem>>
    %dma_wait3A_252 = tpu.memref_squeeze %dma_wait3A_251 : memref<1x!tpu.dma_semaphore, #tpu.memory_space<semaphore_mem>> -> memref<!tpu.dma_semaphore, #tpu.memory_space<semaphore_mem>>
    %dma_wait3A_253 = arith.constant 0 : i32
    %dma_wait3A_254 = arith.constant 0 : i32
    %dma_wait3A_255 = tpu.memref_slice %arg6[%dma_wait3A_242, %dma_wait3A_253, %dma_wait3A_254] : memref<5x128x128xf32, #tpu.memory_space<vmem>> -> memref<1x128x128xf32, #tpu.memory_space<vmem>>
    %dma_wait3A_256 = tpu.memref_squeeze %dma_wait3A_255 : memref<1x128x128xf32, #tpu.memory_space<vmem>> -> memref<128x128xf32, #tpu.memory_space<vmem>>
    %dma_wait3A_257 = arith.constant 0 : i32
    %dma_wait3A_258 = arith.constant 0 : i32
    %dma_wait3A_259 = tpu.memref_slice %arg3[%dma_wait3A_257, %dma_wait3A_258] : memref<100000x128xf32, #tpu.memory_space<hbm>> -> memref<128x128xf32, #tpu.memory_space<hbm>>
    tpu.wait_dma2 semaphore(%dma_wait3A_252 : memref<!tpu.dma_semaphore, #tpu.memory_space<semaphore_mem>>) src(%dma_wait3A_259 : memref<128x128xf32, #tpu.memory_space<hbm>>) dst(%dma_wait3A_256 : memref<128x128xf32, #tpu.memory_space<vmem>>)
    %add3A_260 = arith.constant 6144 : i32
    %add3A_261 = arith.addi %mul3A_2, %add3A_260 : i32
    %dma_start3A_262 = arith.constant 3 : i32
    %dma_start3A_263 = arith.constant 3 : i32
    %dma_start3A_264 = arith.constant 0 : i32
    %dma_start3A_265 = arith.constant 0 : i32
    %dma_start3A_266 = tpu.memref_slice %arg6[%dma_start3A_262, %dma_start3A_264, %dma_start3A_265] : memref<5x128x128xf32, #tpu.memory_space<vmem>> -> memref<1x128x128xf32, #tpu.memory_space<vmem>>
    %dma_start3A_267 = tpu.memref_squeeze %dma_start3A_266 : memref<1x128x128xf32, #tpu.memory_space<vmem>> -> memref<128x128xf32, #tpu.memory_space<vmem>>
    %dma_start3A_268 = arith.constant 0 : i32
    %dma_start3A_269 = tpu.memref_slice %arg4[%add3A_261, %dma_start3A_268] : memref<204800x128xf32, #tpu.memory_space<hbm>> -> memref<128x128xf32, #tpu.memory_space<hbm>>
    %dma_start3A_270 = tpu.memref_slice %arg8[%dma_start3A_263] : memref<5x!tpu.dma_semaphore, #tpu.memory_space<semaphore_mem>> -> memref<1x!tpu.dma_semaphore, #tpu.memory_space<semaphore_mem>>
    %dma_start3A_271 = tpu.memref_squeeze %dma_start3A_270 : memref<1x!tpu.dma_semaphore, #tpu.memory_space<semaphore_mem>> -> memref<!tpu.dma_semaphore, #tpu.memory_space<semaphore_mem>>
    %dma_start3A_272 = arith.constant 0 : i32
    %dma_start3A_273 = tpu.memref_slice %arg4[%add3A_261, %dma_start3A_272] : memref<204800x128xf32, #tpu.memory_space<hbm>> -> memref<128x128xf32, #tpu.memory_space<hbm>>
    %dma_start3A_274 = arith.constant 0 : i32
    %dma_start3A_275 = arith.constant 0 : i32
    %dma_start3A_276 = tpu.memref_slice %arg6[%dma_start3A_262, %dma_start3A_274, %dma_start3A_275] : memref<5x128x128xf32, #tpu.memory_space<vmem>> -> memref<1x128x128xf32, #tpu.memory_space<vmem>>
    %dma_start3A_277 = tpu.memref_squeeze %dma_start3A_276 : memref<1x128x128xf32, #tpu.memory_space<vmem>> -> memref<128x128xf32, #tpu.memory_space<vmem>>
    tpu.enqueue_dma source(%dma_start3A_277 : memref<128x128xf32, #tpu.memory_space<vmem>>) target(%dma_start3A_273 : memref<128x128xf32, #tpu.memory_space<hbm>>) target_semaphore(%dma_start3A_271 : memref<!tpu.dma_semaphore, #tpu.memory_space<semaphore_mem>>)
    %add3A_278 = arith.constant 6144 : i32
    %add3A_279 = arith.addi %mul3A_2, %add3A_278 : i32
    %dma_wait3A_280 = arith.constant 3 : i32
    %dma_wait3A_281 = arith.constant 3 : i32
    %dma_wait3A_282 = arith.constant 0 : i32
    %dma_wait3A_283 = arith.constant 0 : i32
    %dma_wait3A_284 = tpu.memref_slice %arg6[%dma_wait3A_280, %dma_wait3A_282, %dma_wait3A_283] : memref<5x128x128xf32, #tpu.memory_space<vmem>> -> memref<1x128x128xf32, #tpu.memory_space<vmem>>
    %dma_wait3A_285 = tpu.memref_squeeze %dma_wait3A_284 : memref<1x128x128xf32, #tpu.memory_space<vmem>> -> memref<128x128xf32, #tpu.memory_space<vmem>>
    %dma_wait3A_286 = arith.constant 0 : i32
    %dma_wait3A_287 = tpu.memref_slice %arg4[%add3A_279, %dma_wait3A_286] : memref<204800x128xf32, #tpu.memory_space<hbm>> -> memref<128x128xf32, #tpu.memory_space<hbm>>
    %dma_wait3A_288 = tpu.memref_slice %arg8[%dma_wait3A_281] : memref<5x!tpu.dma_semaphore, #tpu.memory_space<semaphore_mem>> -> memref<1x!tpu.dma_semaphore, #tpu.memory_space<semaphore_mem>>
    %dma_wait3A_289 = tpu.memref_squeeze %dma_wait3A_288 : memref<1x!tpu.dma_semaphore, #tpu.memory_space<semaphore_mem>> -> memref<!tpu.dma_semaphore, #tpu.memory_space<semaphore_mem>>
    %dma_wait3A_290 = arith.constant 0 : i32
    %dma_wait3A_291 = tpu.memref_slice %arg4[%add3A_279, %dma_wait3A_290] : memref<204800x128xf32, #tpu.memory_space<hbm>> -> memref<128x128xf32, #tpu.memory_space<hbm>>
    %dma_wait3A_292 = arith.constant 0 : i32
    %dma_wait3A_293 = arith.constant 0 : i32
    %dma_wait3A_294 = tpu.memref_slice %arg6[%dma_wait3A_280, %dma_wait3A_292, %dma_wait3A_293] : memref<5x128x128xf32, #tpu.memory_space<vmem>> -> memref<1x128x128xf32, #tpu.memory_space<vmem>>
    %dma_wait3A_295 = tpu.memref_squeeze %dma_wait3A_294 : memref<1x128x128xf32, #tpu.memory_space<vmem>> -> memref<128x128xf32, #tpu.memory_space<vmem>>
    tpu.wait_dma2 semaphore(%dma_wait3A_289 : memref<!tpu.dma_semaphore, #tpu.memory_space<semaphore_mem>>) src(%dma_wait3A_295 : memref<128x128xf32, #tpu.memory_space<vmem>>) dst(%dma_wait3A_291 : memref<128x128xf32, #tpu.memory_space<hbm>>)
    %dma_wait3A_296 = arith.constant 4 : i32
    %dma_wait3A_297 = arith.constant 4 : i32
    %dma_wait3A_298 = arith.constant 0 : i32
    %dma_wait3A_299 = arith.constant 0 : i32
    %dma_wait3A_300 = tpu.memref_slice %arg6[%dma_wait3A_296, %dma_wait3A_298, %dma_wait3A_299] : memref<5x128x128xf32, #tpu.memory_space<vmem>> -> memref<1x128x128xf32, #tpu.memory_space<vmem>>
    %dma_wait3A_301 = tpu.memref_squeeze %dma_wait3A_300 : memref<1x128x128xf32, #tpu.memory_space<vmem>> -> memref<128x128xf32, #tpu.memory_space<vmem>>
    %dma_wait3A_302 = arith.constant 0 : i32
    %dma_wait3A_303 = arith.constant 0 : i32
    %dma_wait3A_304 = tpu.memref_slice %arg3[%dma_wait3A_302, %dma_wait3A_303] : memref<100000x128xf32, #tpu.memory_space<hbm>> -> memref<128x128xf32, #tpu.memory_space<hbm>>
    %dma_wait3A_305 = tpu.memref_slice %arg7[%dma_wait3A_297] : memref<5x!tpu.dma_semaphore, #tpu.memory_space<semaphore_mem>> -> memref<1x!tpu.dma_semaphore, #tpu.memory_space<semaphore_mem>>
    %dma_wait3A_306 = tpu.memref_squeeze %dma_wait3A_305 : memref<1x!tpu.dma_semaphore, #tpu.memory_space<semaphore_mem>> -> memref<!tpu.dma_semaphore, #tpu.memory_space<semaphore_mem>>
    %dma_wait3A_307 = arith.constant 0 : i32
    %dma_wait3A_308 = arith.constant 0 : i32
    %dma_wait3A_309 = tpu.memref_slice %arg6[%dma_wait3A_296, %dma_wait3A_307, %dma_wait3A_308] : memref<5x128x128xf32, #tpu.memory_space<vmem>> -> memref<1x128x128xf32, #tpu.memory_space<vmem>>
    %dma_wait3A_310 = tpu.memref_squeeze %dma_wait3A_309 : memref<1x128x128xf32, #tpu.memory_space<vmem>> -> memref<128x128xf32, #tpu.memory_space<vmem>>
    %dma_wait3A_311 = arith.constant 0 : i32
    %dma_wait3A_312 = arith.constant 0 : i32
    %dma_wait3A_313 = tpu.memref_slice %arg3[%dma_wait3A_311, %dma_wait3A_312] : memref<100000x128xf32, #tpu.memory_space<hbm>> -> memref<128x128xf32, #tpu.memory_space<hbm>>
    tpu.wait_dma2 semaphore(%dma_wait3A_306 : memref<!tpu.dma_semaphore, #tpu.memory_space<semaphore_mem>>) src(%dma_wait3A_313 : memref<128x128xf32, #tpu.memory_space<hbm>>) dst(%dma_wait3A_310 : memref<128x128xf32, #tpu.memory_space<vmem>>)
    %add3A_314 = arith.constant 6272 : i32
    %add3A_315 = arith.addi %mul3A_2, %add3A_314 : i32
    %dma_start3A_316 = arith.constant 4 : i32
    %dma_start3A_317 = arith.constant 4 : i32
    %dma_start3A_318 = arith.constant 0 : i32
    %dma_start3A_319 = arith.constant 0 : i32
    %dma_start3A_320 = tpu.memref_slice %arg6[%dma_start3A_316, %dma_start3A_318, %dma_start3A_319] : memref<5x128x128xf32, #tpu.memory_space<vmem>> -> memref<1x128x128xf32, #tpu.memory_space<vmem>>
    %dma_start3A_321 = tpu.memref_squeeze %dma_start3A_320 : memref<1x128x128xf32, #tpu.memory_space<vmem>> -> memref<128x128xf32, #tpu.memory_space<vmem>>
    %dma_start3A_322 = arith.constant 0 : i32
    %dma_start3A_323 = tpu.memref_slice %arg4[%add3A_315, %dma_start3A_322] : memref<204800x128xf32, #tpu.memory_space<hbm>> -> memref<128x128xf32, #tpu.memory_space<hbm>>
    %dma_start3A_324 = tpu.memref_slice %arg8[%dma_start3A_317] : memref<5x!tpu.dma_semaphore, #tpu.memory_space<semaphore_mem>> -> memref<1x!tpu.dma_semaphore, #tpu.memory_space<semaphore_mem>>
    %dma_start3A_325 = tpu.memref_squeeze %dma_start3A_324 : memref<1x!tpu.dma_semaphore, #tpu.memory_space<semaphore_mem>> -> memref<!tpu.dma_semaphore, #tpu.memory_space<semaphore_mem>>
    %dma_start3A_326 = arith.constant 0 : i32
    %dma_start3A_327 = tpu.memref_slice %arg4[%add3A_315, %dma_start3A_326] : memref<204800x128xf32, #tpu.memory_space<hbm>> -> memref<128x128xf32, #tpu.memory_space<hbm>>
    %dma_start3A_328 = arith.constant 0 : i32
    %dma_start3A_329 = arith.constant 0 : i32
    %dma_start3A_330 = tpu.memref_slice %arg6[%dma_start3A_316, %dma_start3A_328, %dma_start3A_329] : memref<5x128x128xf32, #tpu.memory_space<vmem>> -> memref<1x128x128xf32, #tpu.memory_space<vmem>>
    %dma_start3A_331 = tpu.memref_squeeze %dma_start3A_330 : memref<1x128x128xf32, #tpu.memory_space<vmem>> -> memref<128x128xf32, #tpu.memory_space<vmem>>
    tpu.enqueue_dma source(%dma_start3A_331 : memref<128x128xf32, #tpu.memory_space<vmem>>) target(%dma_start3A_327 : memref<128x128xf32, #tpu.memory_space<hbm>>) target_semaphore(%dma_start3A_325 : memref<!tpu.dma_semaphore, #tpu.memory_space<semaphore_mem>>)
    %add3A_332 = arith.constant 6272 : i32
    %add3A_333 = arith.addi %mul3A_2, %add3A_332 : i32
    %dma_wait3A_334 = arith.constant 4 : i32
    %dma_wait3A_335 = arith.constant 4 : i32
    %dma_wait3A_336 = arith.constant 0 : i32
    %dma_wait3A_337 = arith.constant 0 : i32
    %dma_wait3A_338 = tpu.memref_slice %arg6[%dma_wait3A_334, %dma_wait3A_336, %dma_wait3A_337] : memref<5x128x128xf32, #tpu.memory_space<vmem>> -> memref<1x128x128xf32, #tpu.memory_space<vmem>>
    %dma_wait3A_339 = tpu.memref_squeeze %dma_wait3A_338 : memref<1x128x128xf32, #tpu.memory_space<vmem>> -> memref<128x128xf32, #tpu.memory_space<vmem>>
    %dma_wait3A_340 = arith.constant 0 : i32
    %dma_wait3A_341 = tpu.memref_slice %arg4[%add3A_333, %dma_wait3A_340] : memref<204800x128xf32, #tpu.memory_space<hbm>> -> memref<128x128xf32, #tpu.memory_space<hbm>>
    %dma_wait3A_342 = tpu.memref_slice %arg8[%dma_wait3A_335] : memref<5x!tpu.dma_semaphore, #tpu.memory_space<semaphore_mem>> -> memref<1x!tpu.dma_semaphore, #tpu.memory_space<semaphore_mem>>
    %dma_wait3A_343 = tpu.memref_squeeze %dma_wait3A_342 : memref<1x!tpu.dma_semaphore, #tpu.memory_space<semaphore_mem>> -> memref<!tpu.dma_semaphore, #tpu.memory_space<semaphore_mem>>
    %dma_wait3A_344 = arith.constant 0 : i32
    %dma_wait3A_345 = tpu.memref_slice %arg4[%add3A_333, %dma_wait3A_344] : memref<204800x128xf32, #tpu.memory_space<hbm>> -> memref<128x128xf32, #tpu.memory_space<hbm>>
    %dma_wait3A_346 = arith.constant 0 : i32
    %dma_wait3A_347 = arith.constant 0 : i32
    %dma_wait3A_348 = tpu.memref_slice %arg6[%dma_wait3A_334, %dma_wait3A_346, %dma_wait3A_347] : memref<5x128x128xf32, #tpu.memory_space<vmem>> -> memref<1x128x128xf32, #tpu.memory_space<vmem>>
    %dma_wait3A_349 = tpu.memref_squeeze %dma_wait3A_348 : memref<1x128x128xf32, #tpu.memory_space<vmem>> -> memref<128x128xf32, #tpu.memory_space<vmem>>
    tpu.wait_dma2 semaphore(%dma_wait3A_343 : memref<!tpu.dma_semaphore, #tpu.memory_space<semaphore_mem>>) src(%dma_wait3A_349 : memref<128x128xf32, #tpu.memory_space<vmem>>) dst(%dma_wait3A_345 : memref<128x128xf32, #tpu.memory_space<hbm>>)
    return
  }
}

</mosaic_0001>

<sc_bundles>
// kernel: kernel.3.cloned.1.call-start
scs
__scs_entry_jumppad:
0x0: {  	(pc) =	sbr.rel $0x88, $3  }
0x1: {  	(tag) =	ssettag $0x0;
	lr =	simm.s32 $0x1  }
0x2: {  	[smem:$0x3F9F] =	sst lr;
	_ =	strace $0xD0000000  }
0x3: {  	_ = 	snop  }
0x4: {  	_ = 	snop  }
0x5: {  	_ = 	snop  }
0x6: {  	_ = 	snop  }
0x7: {  	_ = 	snop  }
__scs_overlays_trampoline_lowered:
0x8: {  	[smem:$0x3FAE] =	sst s0  }
0x9: {  	[smem:$0x3FAF] =	sst s1  }
0xa: {  	[smem:$0x3FB0] =	sst s2  }
0xb: {  	[smem:$0x3FB1] =	sst s3  }
0xc: {  	[smem:$0x3FB2] =	sst s4  }
0xd: {  	[smem:$0x3FB3] =	sst s5  }
0xe: {  	[smem:$0x3FB4] =	sst s6  }
0xf: {  	[smem:$0x3FB5] =	sst s7  }
0x10: {  	[smem:$0x3FB6] =	sst s8  }
0x11: {  	[smem:$0x3FB7] =	sst s9;
	s0 =	simm.s32 @!p0 $0x0  }
0x12: {  	s1 =	sld [smem:$0x3F9D];
	s0 =	simm.s32 @p0 $0x1  }
0x13: {  	[smem:$0x3FB8] =	sst s0;
	s0 =	simm.s32 @!p1 $0x0  }
0x14: {  	s2 =	sld [smem:$0x3F9C];
	s0 =	simm.s32 @p1 $0x1  }
0x15: {  	[smem:$0x3FB9] =	sst s0;
	s0 =	simm.s32 @!p2 $0x0  }
0x16: {  	s3 =	sld [smem:$0x3FDB];
	s0 =	simm.s32 @p2 $0x1  }
0x17: {  	s4 =	simm.s32 $0x1BF5;
	[smem:$0x3FBB] =	sst s0  }
0x18: {  	s0 =	sld [smem:$0x3F9E];
	_ =	swait.ge [sflag:s4], $0x0  }
0x19: {  	s7 =	sld [smem:$0x3F9F]  }
0x1a: {  	s8 =	sadd.s32 $0xFFFFE003, lr  }
0x1b: {  	s9 =	sadd.s32 $0xFFFFFEF7, lr;
	s5 =	simm.s32 $0xFFFFFFFF;
	p2 =	slt.u32 s8, $0xFFFFF086  }
0x1c: {  	p1 =	slt.u32 s9, $0xF7A;
	s5 =	simm.s32 @!p2 $0x0  }
0x1d: {  	s5 =	simm.s32 @p1 $0x1;
	p0 =	seq.s32 s7, s2  }
0x1e: {  	s7 =	smul.u32 @!p0 $0xF7A, s2;
	p2 =	seq.s32 @!p0 s5, $0x0  }
0x1f: {  	s9 =	smul.u32 $0xF7A, s1;
	s8 =	simm.s32 @!p0 $0x1BF5;
	p2 =	por !p2, p0  }
0x20: {  	[sflag:s8] =	ssyncset.s32 @!p0 $0xFFFFF086;
	s6 =	sadd.s32 @!p0 s3, s7;
	s7 =	simm.s32 @!p0 $0x108  }
0x21: {  	s3 =	sadd.s32 s3, s9;
	s6 =	sadd.s32 @!p0 $0x88, s6;
	s7 =	simm.s32 @p2 $0x1082  }
0x22: {  	[simem:s7], [sflag:s8] =	dma.local @!p0 [hbm:s6], $0xF7A  }
0x23: {  	s9 =	sor.u32 $0xD0000000, s2;
	s6 =	simm.s32 $0x108;
	_ =	swait.ge @!p0 [sflag:s8], $0x0  }
0x24: {  	s3 =	sadd.s32 $0x88, s3;
	s6 =	simm.s32 @!p1 $0x1082;
	[sflag:s4] =	ssyncset.s32 $0xFFFFF086  }
0x25: {  	[simem:s6], [sflag:s4] =	dma.local [hbm:s3], $0xF7A  }
0x26: {  	[smem:$0x3F9F] =	sst s1;
	(tag) =	ssettag s2;
	_ =	strace s9  }
0x27: {  	s1 =	sld [smem:$0x3FAF]  }
0x28: {  	s2 =	sld [smem:$0x3FB0]  }
0x29: {  	s4 =	sld [smem:$0x3FB2]  }
0x2a: {  	p0 =	seq.s32 s5, $0x0;
	s5 =	sld [smem:$0x3FB3]  }
0x2b: {  	s6 =	sld [smem:$0x3FB4]  }
0x2c: {  	s7 =	sld [smem:$0x3FB5]  }
0x2d: {  	s3 =	simm.s32 $0x108;
	s8 =	sld [smem:$0x3FB6]  }
0x2e: {  	s3 =	simm.s32 @!p0 $0x1082;
	s9 =	sld [smem:$0x3FB7]  }
0x2f: {  	lr =	sadd.s32 s0, s3;
	s0 =	sld [smem:$0x3FAE]  }
0x30: {  	s3 =	sld [smem:$0x3FB1]  }
0x31: {  	[smem:$0x3FBA] =	sst s10  }
0x32: {  	s10 =	sld [smem:$0x3FB8];
	_ =	sdelay $0x3  }
0x33: {  	p0 =	seq.s32 s10, $0x1;
	s10 =	sld [smem:$0x3FBA];
	_ =	sdelay $0x3  }
0x34: {  	[smem:$0x3FBA] =	sst s10  }
0x35: {  	s10 =	sld [smem:$0x3FB9];
	_ =	sdelay $0x3  }
0x36: {  	p1 =	seq.s32 s10, $0x1;
	s10 =	sld [smem:$0x3FBA];
	_ =	sdelay $0x3  }
0x37: {  	[smem:$0x3FBA] =	sst s10  }
0x38: {  	s10 =	sld [smem:$0x3FBB]  }
0x39: {  	_ = 	snop;
	(pc) =	sbr.ind lr, $3  }
0x3a: {  	_ = 	snop  }
0x3b: {  	_ = 	snop  }
0x3c: {  	p2 =	seq.s32 s10, $0x1;
	s10 =	sld [smem:$0x3FBA]  }
0x3d: {  	_ =	shalt  }
0x3e: {  	_ =	shalt  }
0x3f: {  	_ =	shalt  }
0x40: {  	_ =	shalt  }
0x41: {  	_ =	shalt  }
0x42: {  	_ =	shalt  }
0x43: {  	_ =	shalt  }
0x44: {  	_ =	shalt  }
0x45: {  	_ =	shalt  }
0x46: {  	_ =	shalt  }
0x47: {  	_ =	shalt  }
0x48: {  	_ =	shalt  }
0x49: {  	_ =	shalt  }
0x4a: {  	_ =	shalt  }
0x4b: {  	_ =	shalt  }
0x4c: {  	_ =	shalt  }
0x4d: {  	_ =	shalt  }
0x4e: {  	_ =	shalt  }
0x4f: {  	_ =	shalt  }
0x50: {  	_ =	shalt  }
0x51: {  	_ =	shalt  }
0x52: {  	_ =	shalt  }
0x53: {  	_ =	shalt  }
0x54: {  	_ =	shalt  }
0x55: {  	_ =	shalt  }
0x56: {  	_ =	shalt  }
0x57: {  	_ =	shalt  }
0x58: {  	_ =	shalt  }
0x59: {  	_ =	shalt  }
0x5a: {  	_ =	shalt  }
0x5b: {  	_ =	shalt  }
0x5c: {  	_ =	shalt  }
0x5d: {  	_ =	shalt  }
0x5e: {  	_ =	shalt  }
0x5f: {  	_ =	shalt  }
0x60: {  	_ =	shalt  }
0x61: {  	_ =	shalt  }
0x62: {  	_ =	shalt  }
0x63: {  	_ =	shalt  }
0x64: {  	_ =	shalt  }
0x65: {  	_ =	shalt  }
0x66: {  	_ =	shalt  }
0x67: {  	_ =	shalt  }
0x68: {  	_ =	shalt  }
0x69: {  	_ =	shalt  }
0x6a: {  	_ =	shalt  }
0x6b: {  	_ =	shalt  }
0x6c: {  	_ =	shalt  }
0x6d: {  	_ =	shalt  }
0x6e: {  	_ =	shalt  }
0x6f: {  	_ =	shalt  }
0x70: {  	_ =	shalt  }
0x71: {  	_ =	shalt  }
0x72: {  	_ =	shalt  }
0x73: {  	_ =	shalt  }
0x74: {  	_ =	shalt  }
0x75: {  	_ =	shalt  }
0x76: {  	_ =	shalt  }
0x77: {  	_ =	shalt  }
0x78: {  	_ =	shalt  }
0x79: {  	_ =	shalt  }
0x7a: {  	_ =	shalt  }
0x7b: {  	_ =	shalt  }
0x7c: {  	_ =	shalt  }
0x7d: {  	_ =	shalt  }
0x7e: {  	_ =	shalt  }
0x7f: {  	_ =	shalt  }
0x80: {  	_ =	shalt  }
0x81: {  	_ =	shalt  }
0x82: {  	_ =	shalt  }
0x83: {  	_ =	shalt  }
0x84: {  	_ =	shalt  }
0x85: {  	_ =	shalt  }
0x86: {  	_ =	shalt  }
0x87: {  	_ =	shalt  }
.Lfunc_end0:
.L_simem_size_0:
called_computation_lowered:
.L_overlay_start_0:
0x88: {  	s2 =	sld [smem:$0x3FD9]  }
0x89: {  	s3 =	sld [smem:$0x3FFE];
	_ =	sdelay $0x1  }
0x8a: {  	s1 =	srdreg.scid  }
0x8b: {  	s0 =	sand.u32 $0x1, s1  }
0x8c: {  	s17 =	sshll.u32 s0, $0xA;
	s2 =	sadd.s32 s3, s2  }
0x8d: {  	s2 =	sadd.s32 s2, s17  }
0x8e: {  	[smem:$0x3FC6] =	sst s2  }
0x8f: {  	_ = 	snop  }
0x90: {  	s2 =	sld [smem:$0x3FC8]  }
0x91: {  	s18 =	sld [smem:$0x3FD0];
	(tm) =	ssettm $0x1  }
0x92: {  	s4 =	sld [smem:$0x3FFB];
	_ =	sdelay $0x3  }
0x93: {  	_ =	strace s4  }
0x94: {  	s4 =	sld [smem:$0x3FFC];
	_ =	sdelay $0x3  }
0x95: {  	_ =	strace s4  }
0x96: {  	s4 =	sld [smem:$0x3FFD];
	_ =	sdelay $0x3  }
0x97: {  	_ =	strace s4  }
0x98: {  	_ =	strace $0x8FFFFFFF  }
0x99: {  	s19 =	sld [smem:$0x3FDB];
	_ =	sdelay $0x1  }
0x9a: {  	s5 =	simm.s32 $_scs_section_size  }
0x9b: {  	s6 =	simm.s32 $_size__tile_overlayer_lowered;
	s7 =	simm.s32 $_tile_overlayer_lowered  }
0x9c: {  	s22 =	simm.s32 $0x1BFF;
	s21 =	sshll.u32 s7, $0x1;
	s4 =	sadd.s32 s5, s19  }
0x9d: {  	s8 =	simm.s32 $0x0;
	s20 =	sshll.u32 s6, $0x1;
	s6 =	sadd.s32 s21, s4  }
0x9e: {  	[timem:s8], [sflag:s22] =	dma.local [hbm:s6], s20  }
0x9f: {  	_ =	swait.ge [sflag:s22], s20  }
0xa0: {  	s5 =	ssub.s32 $0x0, s20;
	[sflag:s22] =	ssyncset.done $0x0  }
0xa1: {  	[sflag:s22] =	ssyncadd.s32 s5;
	_ =	sdelay $0x1  }
0xa2: {  	s23 =	simm.s32 $0x1B8B  }
0xa3: {  	_ =	swait.ge [sflag:s23], $0x1  }
0xa4: {  	[sflag:s23] =	ssyncset.done $0x0  }
0xa5: {  	s25 =	simm.s32 $0x1B8E;
	s24 =	sld [smem:$0x3FFE];
	[sflag:s23] =	ssyncadd.s32 $0xFFFFFFFF  }
0xa6: {  	s26 =	simm.s32 $execute0_lowered;
	[smem:$0x3FD2] =	sst s25  }
0xa7: {  	s6 =	sshll.u32 s26, $0x1;
	_ =	strace $0x80000046;
	[dreg:$0x1] =	wrdreg $0xFFFFFFFF  }
0xa8: {  	s28 =	simm.s32 $_size_execute0_lowered;
	s4 =	sadd.s32 s4, s6;
	[dreg:$0x0] =	wrdreg $0x0  }
0xa9: {  	s6 =	sshll.u32 s28, $0x1;
	[dreg:$0x2] =	wrdreg s4  }
0xaa: {  	[dreg:$0x3] =	wrdreg s6  }
0xab: {  	[dreg:$0x4] =	wrdreg $0xC0  }
0xac: {  	_ =	task [dreg:s8], $0x5FFFF  }
0xad: {  	[dreg:$0x1] =	wrdreg $0xFFFFFFFF  }
0xae: {  	[dreg:$0x0] =	wrdreg $0x60  }
0xaf: {  	[dreg:$0x2] =	wrdreg s24  }
0xb0: {  	[dreg:$0x3] =	wrdreg s2  }
0xb1: {  	[dreg:$0x4] =	wrdreg s18  }
0xb2: {  	[dreg:$0x5] =	wrdreg $0x9  }
0xb3: {  	_ =	task.clear_ibuf [dreg:s8], $0x6FFFF;
	_ =	strace $0x90000046  }
0xb4: {  	s29 =	simm.s32 $0x9;
	_ =	strace $0x80000048  }
0xb5: {  	_ =	swait.ge [sflag:s29], $0x1  }
0xb6: {  	[sflag:s29] =	ssyncadd.s32 $0xFFFFFFFF  }
0xb7: {  	_ =	strace $0x90000048  }
0xb8: {  	_ =	sfence  }
0xb9: {  	s30 =	sld [smem:$0x0];
	_ =	sdelay $0x2  }
0xba: {  	s31 =	sshll.u32 s1, $0xD;
	s1 =	sshrl.u32 s1, $0x2  }
0xbb: {  	s3 =	sand.u32 $0x4000, s31;
	s1 =	sadd.s32 s1, s30  }
0xbc: {  	s0 =	sor.u32 s3, s0;
	s1 =	sshll.u32 s1, $0x11  }
0xbd: {  	s0 =	sor.u32 s1, s0  }
0xbe: {  	s0 =	sadd.s32 $0x8F2B, s0  }
0xbf: {  	[sflag:s0] =	ssyncadd.remote.s32 $0x1  }
0xc0: {  	_ =	sfence.sel $0xFFFF  }
0xc1: {  	[dreg:$0x0] =	wrdreg $0xFFFFFFFF;
	(pc) =	sbr.abs _section_cstart, $3  }
0xc2: {  	[dreg:$0x1] =	wrdreg $0xFFFFFFFF  }
0xc3: {  	_ =	task.clear_ibuf [dreg:s8], $0x2FFFF;
	_ =	strace $0x9FFFFFFF  }
0xc4: {  	(tm) =	ssettm $0x7FFFFFFF  }
0xc5: {  	_ =	shalt  }
tec
execute0_lowered:
.L_overlay_start_1:
0x0: {  	(tag) =	ssettag $0x1  }
0x1: {  	s0 =	rddreg [dreg:$0x0]  }
0x2: {  	s2 =	rddreg [dreg:$0x1];
	s1 =	srdreg.scid  }
0x3: {  	s11 =	stileid.u32;
	s7 =	rddreg [dreg:$0x2];
	s3 =	simm.s32 $0x0  }
0x4: {  	s12 =	simm.s32 $0xB;
	s13 =	simm.s32 $0x80;
	s14 =	simm.s32 $0x1C00  }
0x5: {  	s15 =	simm.s32 $0x5C00;
	s17 =	simm.s32 $0x9C00;
	s19 =	simm.s32 $0xDC00  }
0x6: {  	s21 =	simm.s32 $0x11C00;
	s28 =	simm.s32 $0x8;
	s29 =	simm.s32 $0x4  }
0x7: {  	s1 =	sand.u32 $0x1, s1;
	s4 =	sshll.u32 s11, $0x1;
	s24 =	smul.u32 $0x32000, s11  }
0x8: {  	s4 =	sor.u32 s1, s4;
	s6 =	ssub.s32 $0x2, s1;
	s1 =	smul.u32 $0x19000, s1  }
0x9: {  	s30 =	simm.s32 $0x9;
	[smem:$0x7FF] =	sst s3;
	s5 =	smul.u32 $0x380, s4  }
0xa: {  	s31 =	simm.s32 $0x5;
	_ =	strace $0x80000047;
	s8 =	smul.u32 $0xC8000, s4  }
0xb: {  	s22 =	sshrl.u32 s6, $0x1;
	s9 =	smul.u32 $0x19000, s4;
	s26 =	sadd.s32 s24, s7  }
0xc: {  	s24 =	simm.s32 $0x2;
	s10 =	ssub.s32 s6, s22;
	s1 =	sadd.s32 s1, s26  }
0xd: {  	s22 =	simm.s32 $0x1;
	s26 =	simm.s32 $0x3;
	s0 =	sadd.s32 s5, s0  }
0xe: {  	s23 =	sshrl.u32 s8, $0x3;
	s5 =	sadd.s32 s7, s9;
	s10 =	smax.u32 s10, $0x1  }
0xf: {  	s11 =	sadd.s32 $0x1800, s1;
	s1 =	simm.s32 $0xA;
	s0 =	sadd.s32 $0x400, s0  }
0x10: {  	s25 =	sadd.s32 s7, s23;
	s23 =	simm.s32 $0x6;
	[dreg:$0x4] =	wrdreg s0  }
0x11: {  	s6 =	sadd.s32 $0x17000, s25;
	s7 =	sadd.s32 $0x17800, s25;
	s8 =	sadd.s32 $0x18000, s25  }
0x12: {  	s9 =	sadd.s32 $0x18800, s25;
	s25 =	simm.s32 $0x7;
	s0 =	simm.s32 $0x0  }
.LBB2_1:
0x13: {  	s4 =	rddreg [dreg:$0x4]  }
0x14: {  	[tilespmem:s3], [sflag:$0xB] =	stream.linear.gather [hbm4b:s4+s3], $0x1900, $0x38;
	[tilespmem:$0x15C00] =	vst v63  }
0x15: {  	_ =	swait.ge [sflag:s12], $0x1900  }
0x16: {  	[sflag:s12] =	ssyncset.done $0x0  }
0x17: {  	[sflag:s12] =	ssyncadd.s32 $0xFFFFE700  }
0x18: {  	[tilespmem:s14], [sflag:$0x1] =	stream.indirect.gather [hbm4b:s2+s13], $0x80, s3, s13, $0xb8;
	[tilespmem:$0x15C00] =	vst v63  }
0x19: {  	_ = 	snop  }
0x1a: {  	[tilespmem:s15], [sflag:$0x2] =	stream.indirect.gather [hbm4b:s2+s13], $0x80, s13, s13, $0xb8;
	[tilespmem:$0x15C00] =	vst v63  }
0x1b: {  	s20 =	simm.s32 $0x100  }
0x1c: {  	[tilespmem:s17], [sflag:$0x3] =	stream.indirect.gather [hbm4b:s2+s13], $0x80, s20, s13, $0xb8;
	[tilespmem:$0x15C00] =	vst v63  }
0x1d: {  	s16 =	simm.s32 $0x180  }
0x1e: {  	[tilespmem:s19], [sflag:$0x4] =	stream.indirect.gather [hbm4b:s2+s13], $0x80, s16, s13, $0xb8;
	[tilespmem:$0x15C00] =	vst v63  }
0x1f: {  	s18 =	simm.s32 $0x200  }
0x20: {  	[tilespmem:s21], [sflag:$0x5] =	stream.indirect.gather [hbm4b:s2+s13], $0x80, s18, s13, $0xb8;
	[tilespmem:$0x15C00] =	vst v63  }
0x21: {  	_ =	swait.ge [sflag:s22], $0x4000  }
0x22: {  	[sflag:s22] =	ssyncset.done $0x0  }
0x23: {  	[sflag:s22] =	ssyncadd.s32 $0xFFFFC000  }
0x24: {  	[hbm4b:s5+s3] =	stream.linear.scatter [tilespmem:s14], [sflag:$0x6], $0x4000, $0x38;
	[tilespmem:$0x15C00] =	vst v63  }
0x25: {  	_ =	swait.ge [sflag:s23], $0x4000  }
0x26: {  	[sflag:s23] =	ssyncset.done $0x0  }
0x27: {  	s16 =	simm.s32 $0x280;
	[sflag:s23] =	ssyncadd.s32 $0xFFFFC000  }
0x28: {  	[tilespmem:s14], [sflag:$0x1] =	stream.indirect.gather [hbm4b:s2+s13], $0x80, s16, s13, $0xb8;
	[tilespmem:$0x15C00] =	vst v63  }
0x29: {  	_ =	swait.ge [sflag:s24], $0x4000  }
0x2a: {  	[sflag:s24] =	ssyncset.done $0x0  }
0x2b: {  	s20 =	sadd.s32 $0xFFFFF000, s11;
	[sflag:s24] =	ssyncadd.s32 $0xFFFFC000  }
0x2c: {  	[hbm4b:s20+s3] =	stream.linear.scatter [tilespmem:s15], [sflag:$0x7], $0x4000, $0x38;
	[tilespmem:$0x15C00] =	vst v63  }
0x2d: {  	_ =	swait.ge [sflag:s25], $0x4000  }
0x2e: {  	[sflag:s25] =	ssyncset.done $0x0  }
0x2f: {  	s4 =	simm.s32 $0x300;
	[sflag:s25] =	ssyncadd.s32 $0xFFFFC000  }
0x30: {  	[tilespmem:s15], [sflag:$0x2] =	stream.indirect.gather [hbm4b:s2+s13], $0x80, s4, s13, $0xb8;
	[tilespmem:$0x15C00] =	vst v63  }
0x31: {  	_ =	swait.ge [sflag:s26], $0x4000  }
0x32: {  	[sflag:s26] =	ssyncset.done $0x0  }
0x33: {  	s18 =	sadd.s32 $0xFFFFF800, s11;
	[sflag:s26] =	ssyncadd.s32 $0xFFFFC000  }
0x34: {  	[hbm4b:s18+s3] =	stream.linear.scatter [tilespmem:s17], [sflag:$0x8], $0x4000, $0x38;
	[tilespmem:$0x15C00] =	vst v63  }
0x35: {  	_ =	swait.ge [sflag:s28], $0x4000  }
0x36: {  	[sflag:s28] =	ssyncset.done $0x0  }
0x37: {  	s20 =	simm.s32 $0x380;
	[sflag:s28] =	ssyncadd.s32 $0xFFFFC000  }
0x38: {  	[tilespmem:s17], [sflag:$0x3] =	stream.indirect.gather [hbm4b:s2+s13], $0x80, s20, s13, $0xb8;
	[tilespmem:$0x15C00] =	vst v63  }
0x39: {  	_ =	swait.ge [sflag:s29], $0x4000  }
0x3a: {  	[sflag:s29] =	ssyncset.done $0x0  }
0x3b: {  	[sflag:s29] =	ssyncadd.s32 $0xFFFFC000  }
0x3c: {  	[hbm4b:s11+s3] =	stream.linear.scatter [tilespmem:s19], [sflag:$0x9], $0x4000, $0x38;
	[tilespmem:$0x15C00] =	vst v63  }
0x3d: {  	_ =	swait.ge [sflag:s30], $0x4000  }
0x3e: {  	[sflag:s30] =	ssyncset.done $0x0  }
0x3f: {  	s4 =	simm.s32 $0x400;
	[sflag:s30] =	ssyncadd.s32 $0xFFFFC000  }
0x40: {  	[tilespmem:s19], [sflag:$0x4] =	stream.indirect.gather [hbm4b:s2+s13], $0x80, s4, s13, $0xb8;
	[tilespmem:$0x15C00] =	vst v63  }
0x41: {  	_ =	swait.ge [sflag:s31], $0x4000  }
0x42: {  	[sflag:s31] =	ssyncset.done $0x0  }
0x43: {  	s18 =	sadd.s32 $0x800, s11;
	[sflag:s31] =	ssyncadd.s32 $0xFFFFC000  }
0x44: {  	[hbm4b:s18+s3] =	stream.linear.scatter [tilespmem:s21], [sflag:$0xA], $0x4000, $0x38;
	[tilespmem:$0x15C00] =	vst v63  }
0x45: {  	_ =	swait.ge [sflag:s1], $0x4000  }
0x46: {  	[sflag:s1] =	ssyncset.done $0x0  }
0x47: {  	s20 =	simm.s32 $0x480;
	[sflag:s1] =	ssyncadd.s32 $0xFFFFC000  }
0x48: {  	[tilespmem:s21], [sflag:$0x5] =	stream.indirect.gather [hbm4b:s2+s13], $0x80, s20, s13, $0xb8;
	[tilespmem:$0x15C00] =	vst v63  }
0x49: {  	_ =	swait.ge [sflag:s22], $0x4000  }
0x4a: {  	s16 =	simm.s32 $0xA00;
	[sflag:s22] =	ssyncset.done $0x0  }
0x4b: {  	s18 =	sadd.s32 $0x2800, s11;
	s20 =	sadd.s32 $0x1000, s11;
	[sflag:s22] =	ssyncadd.s32 $0xFFFFC000  }
.LBB2_2:
0x4c: {  	[hbm4b:s20+s3] =	stream.linear.scatter [tilespmem:s14], [sflag:$0x6], $0x4000, $0x38;
	[tilespmem:$0x15C00] =	vst v63  }
0x4d: {  	s20 =	smov.u32 s16  }
0x4e: {  	p0 =	sne.s32 s16, $0x5000;
	s16 =	sadd.s32 $0xA00, s16;
	_ =	swait.ge [sflag:s23], $0x4000  }
0x4f: {  	s20 =	sshra.s32 s20, $0x2;
	[sflag:s23] =	ssyncset.done $0x0  }
0x50: {  	s4 =	sadd.s32 $0x280, s20;
	[sflag:s23] =	ssyncadd.s32 $0xFFFFC000  }
0x51: {  	[tilespmem:s14], [sflag:$0x1] =	stream.indirect.gather [hbm4b:s2+s13], $0x80, s4, s13, $0xb8;
	[tilespmem:$0x15C00] =	vst v63  }
0x52: {  	_ =	swait.ge [sflag:s24], $0x4000  }
0x53: {  	[sflag:s24] =	ssyncset.done $0x0  }
0x54: {  	s4 =	sadd.s32 $0xFFFFF000, s18;
	[sflag:s24] =	ssyncadd.s32 $0xFFFFC000  }
0x55: {  	[hbm4b:s4+s3] =	stream.linear.scatter [tilespmem:s15], [sflag:$0x7], $0x4000, $0x38;
	[tilespmem:$0x15C00] =	vst v63  }
0x56: {  	_ =	swait.ge [sflag:s25], $0x4000  }
0x57: {  	[sflag:s25] =	ssyncset.done $0x0  }
0x58: {  	s4 =	sadd.s32 $0x300, s20;
	[sflag:s25] =	ssyncadd.s32 $0xFFFFC000  }
0x59: {  	[tilespmem:s15], [sflag:$0x2] =	stream.indirect.gather [hbm4b:s2+s13], $0x80, s4, s13, $0xb8;
	[tilespmem:$0x15C00] =	vst v63  }
0x5a: {  	_ =	swait.ge [sflag:s26], $0x4000  }
0x5b: {  	[sflag:s26] =	ssyncset.done $0x0  }
0x5c: {  	s4 =	sadd.s32 $0xFFFFF800, s18;
	[sflag:s26] =	ssyncadd.s32 $0xFFFFC000  }
0x5d: {  	[hbm4b:s4+s3] =	stream.linear.scatter [tilespmem:s17], [sflag:$0x8], $0x4000, $0x38;
	[tilespmem:$0x15C00] =	vst v63  }
0x5e: {  	_ =	swait.ge [sflag:s28], $0x4000  }
0x5f: {  	[sflag:s28] =	ssyncset.done $0x0  }
0x60: {  	s4 =	sadd.s32 $0x380, s20;
	[sflag:s28] =	ssyncadd.s32 $0xFFFFC000  }
0x61: {  	[tilespmem:s17], [sflag:$0x3] =	stream.indirect.gather [hbm4b:s2+s13], $0x80, s4, s13, $0xb8;
	[tilespmem:$0x15C00] =	vst v63  }
0x62: {  	_ =	swait.ge [sflag:s29], $0x4000  }
0x63: {  	[sflag:s29] =	ssyncset.done $0x0  }
0x64: {  	[sflag:s29] =	ssyncadd.s32 $0xFFFFC000  }
0x65: {  	[hbm4b:s18+s3] =	stream.linear.scatter [tilespmem:s19], [sflag:$0x9], $0x4000, $0x38;
	[tilespmem:$0x15C00] =	vst v63  }
0x66: {  	_ =	swait.ge [sflag:s30], $0x4000  }
0x67: {  	[sflag:s30] =	ssyncset.done $0x0  }
0x68: {  	s4 =	sadd.s32 $0x400, s20;
	[sflag:s30] =	ssyncadd.s32 $0xFFFFC000  }
0x69: {  	[tilespmem:s19], [sflag:$0x4] =	stream.indirect.gather [hbm4b:s2+s13], $0x80, s4, s13, $0xb8;
	[tilespmem:$0x15C00] =	vst v63  }
0x6a: {  	_ =	swait.ge [sflag:s31], $0x4000  }
0x6b: {  	[sflag:s31] =	ssyncset.done $0x0  }
0x6c: {  	s4 =	sadd.s32 $0x800, s18;
	[sflag:s31] =	ssyncadd.s32 $0xFFFFC000  }
0x6d: {  	[hbm4b:s4+s3] =	stream.linear.scatter [tilespmem:s21], [sflag:$0xA], $0x4000, $0x38;
	[tilespmem:$0x15C00] =	vst v63  }
0x6e: {  	_ =	swait.ge [sflag:s1], $0x4000  }
0x6f: {  	[sflag:s1] =	ssyncset.done $0x0  }
.Ltmp0:
0x70: {  	s4 =	sadd.s32 $0x480, s20;
	[sflag:s1] =	ssyncadd.s32 $0xFFFFC000;
	(pc) =	sbr.rel @p0 .LBB2_2-.Ltmp0, $4  }
0x71: {  	[tilespmem:s21], [sflag:$0x5] =	stream.indirect.gather [hbm4b:s2+s13], $0x80, s4, s13, $0xb8;
	[tilespmem:$0x15C00] =	vst v63  }
0x72: {  	_ =	swait.ge [sflag:s22], $0x4000  }
0x73: {  	[sflag:s22] =	ssyncset.done $0x0  }
0x74: {  	s20 =	sadd.s32 $0x1000, s18;
	s18 =	sadd.s32 $0x2800, s18;
	[sflag:s22] =	ssyncadd.s32 $0xFFFFC000  }
0x75: {  	[hbm4b:s20+s3] =	stream.linear.scatter [tilespmem:s14], [sflag:$0x6], $0x4000, $0x38;
	[tilespmem:$0x15C00] =	vst v63  }
0x76: {  	_ =	swait.ge [sflag:s23], $0x4000  }
0x77: {  	[sflag:s23] =	ssyncset.done $0x0  }
0x78: {  	[sflag:s23] =	ssyncadd.s32 $0xFFFFC000  }
0x79: {  	_ =	swait.ge [sflag:s24], $0x4000  }
0x7a: {  	[sflag:s24] =	ssyncset.done $0x0  }
0x7b: {  	[sflag:s24] =	ssyncadd.s32 $0xFFFFC000  }
0x7c: {  	[hbm4b:s6+s3] =	stream.linear.scatter [tilespmem:s15], [sflag:$0x7], $0x4000, $0x38;
	[tilespmem:$0x15C00] =	vst v63  }
0x7d: {  	_ =	swait.ge [sflag:s25], $0x4000  }
0x7e: {  	[sflag:s25] =	ssyncset.done $0x0  }
0x7f: {  	[sflag:s25] =	ssyncadd.s32 $0xFFFFC000  }
0x80: {  	_ =	swait.ge [sflag:s26], $0x4000  }
0x81: {  	[sflag:s26] =	ssyncset.done $0x0  }
0x82: {  	[sflag:s26] =	ssyncadd.s32 $0xFFFFC000  }
0x83: {  	[hbm4b:s7+s3] =	stream.linear.scatter [tilespmem:s17], [sflag:$0x8], $0x4000, $0x38;
	[tilespmem:$0x15C00] =	vst v63  }
0x84: {  	_ =	swait.ge [sflag:s28], $0x4000  }
0x85: {  	[sflag:s28] =	ssyncset.done $0x0  }
0x86: {  	[sflag:s28] =	ssyncadd.s32 $0xFFFFC000  }
0x87: {  	_ =	swait.ge [sflag:s29], $0x4000  }
0x88: {  	[sflag:s29] =	ssyncset.done $0x0  }
0x89: {  	[sflag:s29] =	ssyncadd.s32 $0xFFFFC000  }
0x8a: {  	[hbm4b:s8+s3] =	stream.linear.scatter [tilespmem:s19], [sflag:$0x9], $0x4000, $0x38;
	[tilespmem:$0x15C00] =	vst v63  }
0x8b: {  	_ =	swait.ge [sflag:s30], $0x4000  }
0x8c: {  	[sflag:s30] =	ssyncset.done $0x0  }
0x8d: {  	[sflag:s30] =	ssyncadd.s32 $0xFFFFC000  }
0x8e: {  	s0 =	sadd.s32 $0x1, s0;
	_ =	swait.ge [sflag:s31], $0x4000  }
0x8f: {  	p0 =	sne.s32 s0, s10;
	[sflag:s31] =	ssyncset.done $0x0  }
.Ltmp1:
0x90: {  	[sflag:s31] =	ssyncadd.s32 $0xFFFFC000;
	(pc) =	sbr.rel @p0 .LBB2_1-.Ltmp1, $4  }
0x91: {  	[hbm4b:s9+s3] =	stream.linear.scatter [tilespmem:s21], [sflag:$0xA], $0x4000, $0x38;
	[tilespmem:$0x15C00] =	vst v63  }
0x92: {  	_ =	swait.ge [sflag:s1], $0x4000  }
0x93: {  	[sflag:s1] =	ssyncset.done $0x0  }
0x94: {  	[sflag:s1] =	ssyncadd.s32 $0xFFFFC000  }
0x95: {  	_ =	sfence.sel $0x180000  }
0x96: {  	[bflag:$0x0] =	sbarrier.arrive $0xFFFF  }
0x97: {  	_ =	strace $0x90000047  }
0x98: {  	s0 =	stileid.u32;
	[bflag:$0x2] =	sbarrier.arrive $0xFFFF  }
0x99: {  	p0 =	sne.s32 s0, $0x0;
	s0 =	rddreg [dreg:$0x3]  }
0x9a: {  	s0 =	sadd.s32 @!p0 $0x100000, s0  }
0x9b: {  	[sflag:s0] =	ssyncadd.tile.s32 @!p0 $0x1;
	_ =	shalt  }
.Lfunc_end2:
_tile_overlayer_lowered:
.L_overlay_start_2:
0x9c: {  	(tag) =	ssettag $0x2  }
0x9d: {  	s0 =	rddreg [dreg:$0x0];
	s2 =	stileid.u32  }
0x9e: {  	s1 =	rddreg [dreg:$0x1];
	p0 =	sne.s32 s2, $0x0  }
0x9f: {  	s3 =	rddreg [dreg:$0x2];
	[bflag:$0x3] =	sbarrier.arrive $0xFFFF;
	s2 =	simm.s32 @!p0 $0x1C0B  }
0xa0: {  	[timem:s3], [sflag:s2] =	dma.local @!p0 [hbm:s0], s1  }
0xa1: {  	s0 =	simm.s32 @!p0 $0xB  }
0xa2: {  	_ =	swait.ge @!p0 [sflag:s0], s1  }
0xa3: {  	s1 =	ssub.s32 @!p0 $0x0, s1;
	[sflag:s0] =	ssyncset.done @!p0 $0x0  }
0xa4: {  	[sflag:s0] =	ssyncadd.s32 @!p0 s1  }
0xa5: {  	[bflag:$0x3] =	sbarrier.arrive $0xFFFF  }
0xa6: {  	_ =	shalt  }

</sc_bundles>
